<compile_context>
chip_gen: v7x
topology: tpu7x:2x2x1
jax: 0.10.2.dev20260603
libtpu: 0.0.44.dev20260713+nightly
codegen_flags: <defaults>
</compile_context>

<pallas_src>
import functools

import jax
import jax.numpy as jnp
from jax import lax
from jax.experimental import pallas as pl
from jax.experimental.pallas import tpu as pltpu
from jax.experimental.pallas import tpu_sc as plsc

N = 10000
F = 128
H = 256
C = 40
E = 320000

NP = 10240
NC, NS = 2, 16
WORKERS = NC * NS
CH = 128
M = 82
EP = WORKERS * M * CH
RPT = NP // NS

_mesh = plsc.VectorSubcoreMesh(
    core_axis_name="c", subcore_axis_name="s", num_cores=NC, num_subcores=NS)


def _deg_body(dst_hbm, deg_hbm, idx_v, ones_v, zb_v, deg_sh):
    c = lax.axis_index("c")
    s = lax.axis_index("s")
    w = c * NS + s
    pltpu.sync_copy(dst_hbm.at[w], idx_v)

    def _fill(i, _):
        zb_v[pl.ds(i * 16, 16)] = jnp.zeros((16,), jnp.float32)
        return 0
    lax.fori_loop(0, RPT // 16, _fill, 0)

    def _fill1(i, _):
        ones_v[pl.ds(i * 16, 16)] = jnp.ones((16,), jnp.float32)
        return 0
    lax.fori_loop(0, CH // 16, _fill1, 0)

    pltpu.sync_copy(zb_v, deg_sh.at[pl.ds(s * RPT, RPT)])
    plsc.subcore_barrier()

    def _scat(j, _):
        pltpu.sync_copy(ones_v, deg_sh.at[idx_v.at[j]], add=True)
        return 0
    lax.fori_loop(0, M, _scat, 0)

    plsc.subcore_barrier()
    pltpu.sync_copy(deg_sh.at[pl.ds(s * RPT, RPT)],
                    deg_hbm.at[c, pl.ds(s * RPT, RPT)])


_deg = pl.kernel(
    _deg_body,
    out_type=jax.ShapeDtypeStruct((NC, NP), jnp.float32),
    mesh=_mesh,
    scratch_types=[
        pltpu.VMEM((M, CH), jnp.int32),
        pltpu.VMEM((CH,), jnp.float32),
        pltpu.VMEM((RPT,), jnp.float32),
        pltpu.VMEM_SHARED((NP,), jnp.float32),
    ],
)


def _prop_body(src_hbm, dst_hbm, table_hbm, out_hbm, sidx_v, didx_v, rows_v,
               acc_sh, gsem):
    c = lax.axis_index("c")
    s = lax.axis_index("s")
    w = c * NS + s
    pltpu.sync_copy(src_hbm.at[w], sidx_v)
    pltpu.sync_copy(dst_hbm.at[w], didx_v)

    def _zrow(i, _):
        for k in range(F // 16):
            rows_v[i, pl.ds(k * 16, 16)] = jnp.zeros((16,), jnp.float32)
        return 0
    lax.fori_loop(0, CH, _zrow, 0)

    def _zacc(k, _):
        pltpu.sync_copy(rows_v, acc_sh.at[pl.ds(s * RPT + k * CH, CH)])
        return 0
    lax.fori_loop(0, RPT // CH, _zacc, 0)
    plsc.subcore_barrier()

    def _edge(j, _):
        pltpu.async_copy(table_hbm.at[sidx_v.at[j]], rows_v, gsem).wait()
        pltpu.sync_copy(rows_v, acc_sh.at[didx_v.at[j]], add=True)
        return 0
    lax.fori_loop(0, M, _edge, 0)

    plsc.subcore_barrier()

    def _wout(k, _):
        r0 = s * RPT + k * CH
        pltpu.sync_copy(acc_sh.at[pl.ds(r0, CH)], out_hbm.at[c, pl.ds(r0, CH)])
        return 0
    lax.fori_loop(0, RPT // CH, _wout, 0)


_prop = pl.kernel(
    _prop_body,
    out_type=jax.ShapeDtypeStruct((NC, NP, F), jnp.float32),
    mesh=_mesh,
    scratch_types=[
        pltpu.VMEM((M, CH), jnp.int32),
        pltpu.VMEM((M, CH), jnp.int32),
        pltpu.VMEM((CH, F), jnp.float32),
        pltpu.VMEM_SHARED((NP, F), jnp.float32),
        pltpu.SemaphoreType.DMA,
    ],
)

_R = 2048


def _pre_body(deg_ref, x_ref, dinv_ref, x1_ref):
    d = deg_ref[0] + deg_ref[1]
    dinv = lax.rsqrt(jnp.maximum(d, 1.0))
    dinv_ref[...] = dinv
    x1_ref[...] = x_ref[...] * dinv


_pre = pl.pallas_call(
    _pre_body,
    grid=(NP // _R,),
    in_specs=[
        pl.BlockSpec((NC, _R, 1), lambda i: (0, i, 0)),
        pl.BlockSpec((_R, F), lambda i: (i, 0)),
    ],
    out_specs=[
        pl.BlockSpec((_R, 1), lambda i: (i, 0)),
        pl.BlockSpec((_R, F), lambda i: (i, 0)),
    ],
    out_shape=[
        jax.ShapeDtypeStruct((NP, 1), jnp.float32),
        jax.ShapeDtypeStruct((NP, F), jnp.float32),
    ],
)


def _mid_body(y1p_ref, dinv_ref, w1_ref, w2_ref, g_ref):
    dinv = dinv_ref[...]
    y1 = (y1p_ref[0] + y1p_ref[1]) * dinv
    h1 = jnp.maximum(jnp.dot(y1, w1_ref[...], preferred_element_type=jnp.float32), 0.0)
    g = jnp.dot(h1, w2_ref[...], preferred_element_type=jnp.float32) * dinv
    g_ref[0] = g[:, :F]
    g_ref[1] = g[:, F:]


_mid = pl.pallas_call(
    _mid_body,
    grid=(NP // _R,),
    in_specs=[
        pl.BlockSpec((NC, _R, F), lambda i: (0, i, 0)),
        pl.BlockSpec((_R, 1), lambda i: (i, 0)),
        pl.BlockSpec((F, H), lambda i: (0, 0)),
        pl.BlockSpec((H, H), lambda i: (0, 0)),
    ],
    out_specs=pl.BlockSpec((2, _R, F), lambda i: (0, i, 0)),
    out_shape=jax.ShapeDtypeStruct((2, NP, F), jnp.float32),
)


def _fin_body(y2a_ref, y2b_ref, wx_ref, wy_ref, z_ref, xh_ref, yh_ref):
    h2a = y2a_ref[0] + y2a_ref[1]
    h2b = y2b_ref[0] + y2b_ref[1]
    h2 = jnp.concatenate([h2a, h2b], axis=1)
    nrm = jnp.sqrt(jnp.sum(h2 * h2, axis=1, keepdims=True))
    z = h2 / jnp.maximum(nrm, 1e-12)
    z_ref[...] = z
    xh_ref[...] = jnp.dot(z, wx_ref[...], preferred_element_type=jnp.float32)
    yh_ref[...] = jnp.dot(z, wy_ref[...], preferred_element_type=jnp.float32)


_fin = pl.pallas_call(
    _fin_body,
    grid=(NP // _R,),
    in_specs=[
        pl.BlockSpec((NC, _R, F), lambda i: (0, i, 0)),
        pl.BlockSpec((NC, _R, F), lambda i: (0, i, 0)),
        pl.BlockSpec((H, F), lambda i: (0, 0)),
        pl.BlockSpec((H, C), lambda i: (0, 0)),
    ],
    out_specs=[
        pl.BlockSpec((_R, H), lambda i: (i, 0)),
        pl.BlockSpec((_R, F), lambda i: (i, 0)),
        pl.BlockSpec((_R, C), lambda i: (i, 0)),
    ],
    out_shape=[
        jax.ShapeDtypeStruct((NP, H), jnp.float32),
        jax.ShapeDtypeStruct((NP, F), jnp.float32),
        jax.ShapeDtypeStruct((NP, C), jnp.float32),
    ],
)


def kernel(edge_index, x, W1, W2, Wx, Wy):
    loop = jnp.arange(N, dtype=jnp.int32)
    npad = EP - E - N
    pad_src = jnp.full((npad,), N, dtype=jnp.int32)
    pad_dst = N + jnp.arange(npad, dtype=jnp.int32) % (NP - N)
    srcp = jnp.concatenate([edge_index[0], loop, pad_src]).reshape(WORKERS, M, CH)
    dstp = jnp.concatenate([edge_index[1], loop, pad_dst]).reshape(WORKERS, M, CH)
    xp = jnp.pad(x, ((0, NP - N), (0, 0)))

    deg2 = _deg(dstp)
    dinv, x1 = _pre(deg2.reshape(NC, NP, 1), xp)
    y1p = _prop(srcp, dstp, x1)
    g = _mid(y1p, dinv, W1, W2)
    y2a = _prop(srcp, dstp, g[0])
    y2b = _prop(srcp, dstp, g[1])
    z, xh, yh = _fin(y2a, y2b, Wx, Wy)
    return z[:N], xh[:N], yh[:N]

# --- scband reference (transcript-rebuilt; emitter-appended) ---
"""Pipeline reference for scband-tdar-39058432590193 (READ-ONLY COPY).

The authoritative reference and input builder live on the scoring server;
editing this copy changes nothing except your own understanding.
"""

import jax, jax.numpy as jnp
import numpy as np

N = 10000
E = 320000
F = 128
H = 256
C = 40

def setup_inputs(seed: int = 0):
    key = jax.random.key(seed)
    k1, k2, k3, k4, k5, k6 = jax.random.split(key, 6)
    edge_index = jax.random.randint(k1, (2, E), 0, N, dtype=jnp.int32)
    # Features buffer (output of Features() feature-propagation module), shape [N, F]
    x = jax.random.normal(k2, (N, F), dtype=jnp.float32)
    # GCN encoder weights (stored [in, out])
    W1 = jax.random.normal(k3, (F, H), dtype=jnp.float32) * 0.05
    W2 = jax.random.normal(k4, (H, H), dtype=jnp.float32) * 0.05
    # decoders (dec_bias=False)
    Wx = jax.random.normal(k5, (H, F), dtype=jnp.float32) * 0.05
    Wy = jax.random.normal(k6, (H, C), dtype=jnp.float32) * 0.05
    return {"edge_index": edge_index, "x": x, "W1": W1, "W2": W2, "Wx": Wx, "Wy": Wy}

def _gcn_norm(edge_index, num_nodes, dtype):
    src, dst = edge_index[0], edge_index[1]
    loop = jnp.arange(num_nodes, dtype=src.dtype)
    src = jnp.concatenate([src, loop])
    dst = jnp.concatenate([dst, loop])
    deg = jax.ops.segment_sum(jnp.ones_like(src, dtype=dtype), dst, num_segments=num_nodes)
    dinv = jax.lax.rsqrt(jnp.clip(deg, 1.0))
    norm = dinv[src] * dinv[dst]
    return src, dst, norm

def _propagate(h, src, dst, norm, num_nodes):
    # gather on src, weight, scatter-add on dst
    m = jnp.take(h, src, axis=0) * norm[:, None]
    return jax.ops.segment_sum(m, dst, num_segments=num_nodes)

def reference(edge_index, x, W1, W2, Wx, Wy):
    n = x.shape[0]
    src, dst, norm = _gcn_norm(edge_index, n, x.dtype)
    # Encoder: 2-layer GCN (dropout=0.0 -> identity)
    h = _propagate(x @ W1, src, dst, norm, n)
    h = jax.nn.relu(h)
    h = _propagate(h @ W2, src, dst, norm, n)
    # EmbNorm 'unit': row-wise L2 normalization
    z = h / jnp.clip(jnp.linalg.norm(h, axis=1, keepdims=True), 1e-12)
    # dropout p=0.0 -> identity
    x_hat = z @ Wx
    y_hat = z @ Wy
    return (z, x_hat, y_hat)

if __name__ == "__main__":
    import jax
    _d = setup_inputs()
    print(jax.jit(kernel)(*tuple(_d.values())))

</pallas_src>

<mosaic_0001>
#map = affine_map<(d0, d1) -> (0, 0, 0)>
#map1 = affine_map<(d0, d1) -> (0, 0)>
module attributes {stable_mosaic.version = 14 : i64} {
  func.func @_prop_body(%arg0: i32, %arg1: i32, %arg2: memref<32x82x128xi32, #tpu.memory_space<hbm>>, %arg3: memref<32x82x128xi32, #tpu.memory_space<hbm>>, %arg4: memref<10240x128xf32, #tpu.memory_space<hbm>>, %arg5: memref<2x10240x128xf32, #tpu.memory_space<hbm>>, %arg6: memref<82x128xi32, #tpu.memory_space<vmem>>, %arg7: memref<82x128xi32, #tpu.memory_space<vmem>>, %arg8: memref<128x128xf32, #tpu.memory_space<vmem>>, %arg9: memref<10240x128xf32, #tpu.memory_space<vmem_shared>>, %arg10: memref<!tpu.dma_semaphore, #tpu.memory_space<semaphore_mem>>) attributes {dimension_semantics = [#tpu.dimension_semantics<core_parallel>, #tpu.dimension_semantics<subcore_parallel>], iteration_bounds = array<i64: 2, 16>, scalar_prefetch = 0 : i64, scratch_operands = 5 : i64, tpu.core_type = #tpu.core_type<sc_vector_subcore>, window_params = [{transform_indices = #map}, {transform_indices = #map}, {transform_indices = #map1}, {transform_indices = #map}]} {
    %mul3A = arith.constant 16 : i32
    %mul3A_0 = arith.muli %arg0, %mul3A : i32
    %add3A = arith.addi %mul3A_0, %arg1 : i32
    "tpu.region"() ({
      %run_scoped3A = tpu.sem_alloc : memref<!tpu.dma_semaphore, #tpu.memory_space<semaphore_mem>>
      %dma_start3A = arith.constant 0 : i32
      %dma_start3A_29 = arith.constant 0 : i32
      %dma_start3A_30 = tpu.memref_slice %arg2[%add3A, %dma_start3A, %dma_start3A_29] : memref<32x82x128xi32, #tpu.memory_space<hbm>> -> memref<1x82x128xi32, #tpu.memory_space<hbm>>
      %dma_start3A_31 = tpu.memref_squeeze %dma_start3A_30 : memref<1x82x128xi32, #tpu.memory_space<hbm>> -> memref<82x128xi32, #tpu.memory_space<hbm>>
      %dma_start3A_32 = arith.constant 0 : i32
      %dma_start3A_33 = arith.constant 0 : i32
      %dma_start3A_34 = tpu.memref_slice %arg2[%add3A, %dma_start3A_32, %dma_start3A_33] : memref<32x82x128xi32, #tpu.memory_space<hbm>> -> memref<1x82x128xi32, #tpu.memory_space<hbm>>
      %dma_start3A_35 = tpu.memref_squeeze %dma_start3A_34 : memref<1x82x128xi32, #tpu.memory_space<hbm>> -> memref<82x128xi32, #tpu.memory_space<hbm>>
      tpu.enqueue_dma source(%dma_start3A_35 : memref<82x128xi32, #tpu.memory_space<hbm>>) target(%arg6 : memref<82x128xi32, #tpu.memory_space<vmem>>) target_semaphore(%run_scoped3A : memref<!tpu.dma_semaphore, #tpu.memory_space<semaphore_mem>>)
      %dma_wait3A = arith.constant 0 : i32
      %dma_wait3A_36 = arith.constant 0 : i32
      %dma_wait3A_37 = tpu.memref_slice %arg2[%add3A, %dma_wait3A, %dma_wait3A_36] : memref<32x82x128xi32, #tpu.memory_space<hbm>> -> memref<1x82x128xi32, #tpu.memory_space<hbm>>
      %dma_wait3A_38 = tpu.memref_squeeze %dma_wait3A_37 : memref<1x82x128xi32, #tpu.memory_space<hbm>> -> memref<82x128xi32, #tpu.memory_space<hbm>>
      %dma_wait3A_39 = arith.constant 0 : i32
      %dma_wait3A_40 = arith.constant 0 : i32
      %dma_wait3A_41 = tpu.memref_slice %arg2[%add3A, %dma_wait3A_39, %dma_wait3A_40] : memref<32x82x128xi32, #tpu.memory_space<hbm>> -> memref<1x82x128xi32, #tpu.memory_space<hbm>>
      %dma_wait3A_42 = tpu.memref_squeeze %dma_wait3A_41 : memref<1x82x128xi32, #tpu.memory_space<hbm>> -> memref<82x128xi32, #tpu.memory_space<hbm>>
      tpu.wait_dma2 semaphore(%run_scoped3A : memref<!tpu.dma_semaphore, #tpu.memory_space<semaphore_mem>>) src(%dma_wait3A_42 : memref<82x128xi32, #tpu.memory_space<hbm>>) dst(%arg6 : memref<82x128xi32, #tpu.memory_space<vmem>>)
      tpu.yield
    }) : () -> ()
    "tpu.region"() ({
      %run_scoped3A = tpu.sem_alloc : memref<!tpu.dma_semaphore, #tpu.memory_space<semaphore_mem>>
      %dma_start3A = arith.constant 0 : i32
      %dma_start3A_29 = arith.constant 0 : i32
      %dma_start3A_30 = tpu.memref_slice %arg3[%add3A, %dma_start3A, %dma_start3A_29] : memref<32x82x128xi32, #tpu.memory_space<hbm>> -> memref<1x82x128xi32, #tpu.memory_space<hbm>>
      %dma_start3A_31 = tpu.memref_squeeze %dma_start3A_30 : memref<1x82x128xi32, #tpu.memory_space<hbm>> -> memref<82x128xi32, #tpu.memory_space<hbm>>
      %dma_start3A_32 = arith.constant 0 : i32
      %dma_start3A_33 = arith.constant 0 : i32
      %dma_start3A_34 = tpu.memref_slice %arg3[%add3A, %dma_start3A_32, %dma_start3A_33] : memref<32x82x128xi32, #tpu.memory_space<hbm>> -> memref<1x82x128xi32, #tpu.memory_space<hbm>>
      %dma_start3A_35 = tpu.memref_squeeze %dma_start3A_34 : memref<1x82x128xi32, #tpu.memory_space<hbm>> -> memref<82x128xi32, #tpu.memory_space<hbm>>
      tpu.enqueue_dma source(%dma_start3A_35 : memref<82x128xi32, #tpu.memory_space<hbm>>) target(%arg7 : memref<82x128xi32, #tpu.memory_space<vmem>>) target_semaphore(%run_scoped3A : memref<!tpu.dma_semaphore, #tpu.memory_space<semaphore_mem>>)
      %dma_wait3A = arith.constant 0 : i32
      %dma_wait3A_36 = arith.constant 0 : i32
      %dma_wait3A_37 = tpu.memref_slice %arg3[%add3A, %dma_wait3A, %dma_wait3A_36] : memref<32x82x128xi32, #tpu.memory_space<hbm>> -> memref<1x82x128xi32, #tpu.memory_space<hbm>>
      %dma_wait3A_38 = tpu.memref_squeeze %dma_wait3A_37 : memref<1x82x128xi32, #tpu.memory_space<hbm>> -> memref<82x128xi32, #tpu.memory_space<hbm>>
      %dma_wait3A_39 = arith.constant 0 : i32
      %dma_wait3A_40 = arith.constant 0 : i32
      %dma_wait3A_41 = tpu.memref_slice %arg3[%add3A, %dma_wait3A_39, %dma_wait3A_40] : memref<32x82x128xi32, #tpu.memory_space<hbm>> -> memref<1x82x128xi32, #tpu.memory_space<hbm>>
      %dma_wait3A_42 = tpu.memref_squeeze %dma_wait3A_41 : memref<1x82x128xi32, #tpu.memory_space<hbm>> -> memref<82x128xi32, #tpu.memory_space<hbm>>
      tpu.wait_dma2 semaphore(%run_scoped3A : memref<!tpu.dma_semaphore, #tpu.memory_space<semaphore_mem>>) src(%dma_wait3A_42 : memref<82x128xi32, #tpu.memory_space<hbm>>) dst(%arg7 : memref<82x128xi32, #tpu.memory_space<vmem>>)
      tpu.yield
    }) : () -> ()
    %scan3A = arith.constant 0 : i32
    %scan3A_1 = arith.constant 0 : i32
    %scan3A_2 = arith.constant 128 : i32
    %scan3A_3 = arith.addi %scan3A_1, %scan3A_2 : i32
    %scan3A_4 = arith.constant 1 : i32
    %scan3A_5 = scf.for %scan3A_29 = %scan3A_1 to %scan3A_3 step %scan3A_4 iter_args(%scan3A_30 = %scan3A) -> (i32)  : i32 {
      %broadcast_in_dim3A = arith.constant 0.000000e+00 : f32
      %broadcast_in_dim3A_31 = vector.broadcast %broadcast_in_dim3A : f32 to vector<16xf32>
      %swap3A = arith.index_cast %scan3A_29 : i32 to index
      %swap3A_32 = arith.constant 0 : index
      %swap3A_33 = tpu.vector_load %arg8[%swap3A, %swap3A_32] {strides = array<i32>} : memref<128x128xf32, #tpu.memory_space<vmem>>, vector<1x16xf32>,
      %swap3A_34 = vector.shape_cast %swap3A_33 : vector<1x16xf32> to vector<16xf32>
      %swap3A_35 = vector.shape_cast %broadcast_in_dim3A_31 : vector<16xf32> to vector<1x16xf32>
      tpu.vector_store %arg8[%swap3A, %swap3A_32], %swap3A_35 {strides = array<i32>} : memref<128x128xf32, #tpu.memory_space<vmem>>, vector<1x16xf32>,
      %broadcast_in_dim3A_36 = arith.constant 0.000000e+00 : f32
      %broadcast_in_dim3A_37 = vector.broadcast %broadcast_in_dim3A_36 : f32 to vector<16xf32>
      %swap3A_38 = arith.index_cast %scan3A_29 : i32 to index
      %swap3A_39 = arith.constant 16 : index
      %swap3A_40 = tpu.vector_load %arg8[%swap3A_38, %swap3A_39] {strides = array<i32>} : memref<128x128xf32, #tpu.memory_space<vmem>>, vector<1x16xf32>,
      %swap3A_41 = vector.shape_cast %swap3A_40 : vector<1x16xf32> to vector<16xf32>
      %swap3A_42 = vector.shape_cast %broadcast_in_dim3A_37 : vector<16xf32> to vector<1x16xf32>
      tpu.vector_store %arg8[%swap3A_38, %swap3A_39], %swap3A_42 {strides = array<i32>} : memref<128x128xf32, #tpu.memory_space<vmem>>, vector<1x16xf32>,
      %broadcast_in_dim3A_43 = arith.constant 0.000000e+00 : f32
      %broadcast_in_dim3A_44 = vector.broadcast %broadcast_in_dim3A_43 : f32 to vector<16xf32>
      %swap3A_45 = arith.index_cast %scan3A_29 : i32 to index
      %swap3A_46 = arith.constant 32 : index
      %swap3A_47 = tpu.vector_load %arg8[%swap3A_45, %swap3A_46] {strides = array<i32>} : memref<128x128xf32, #tpu.memory_space<vmem>>, vector<1x16xf32>,
      %swap3A_48 = vector.shape_cast %swap3A_47 : vector<1x16xf32> to vector<16xf32>
      %swap3A_49 = vector.shape_cast %broadcast_in_dim3A_44 : vector<16xf32> to vector<1x16xf32>
      tpu.vector_store %arg8[%swap3A_45, %swap3A_46], %swap3A_49 {strides = array<i32>} : memref<128x128xf32, #tpu.memory_space<vmem>>, vector<1x16xf32>,
      %broadcast_in_dim3A_50 = arith.constant 0.000000e+00 : f32
      %broadcast_in_dim3A_51 = vector.broadcast %broadcast_in_dim3A_50 : f32 to vector<16xf32>
      %swap3A_52 = arith.index_cast %scan3A_29 : i32 to index
      %swap3A_53 = arith.constant 48 : index
      %swap3A_54 = tpu.vector_load %arg8[%swap3A_52, %swap3A_53] {strides = array<i32>} : memref<128x128xf32, #tpu.memory_space<vmem>>, vector<1x16xf32>,
      %swap3A_55 = vector.shape_cast %swap3A_54 : vector<1x16xf32> to vector<16xf32>
      %swap3A_56 = vector.shape_cast %broadcast_in_dim3A_51 : vector<16xf32> to vector<1x16xf32>
      tpu.vector_store %arg8[%swap3A_52, %swap3A_53], %swap3A_56 {strides = array<i32>} : memref<128x128xf32, #tpu.memory_space<vmem>>, vector<1x16xf32>,
      %broadcast_in_dim3A_57 = arith.constant 0.000000e+00 : f32
      %broadcast_in_dim3A_58 = vector.broadcast %broadcast_in_dim3A_57 : f32 to vector<16xf32>
      %swap3A_59 = arith.index_cast %scan3A_29 : i32 to index
      %swap3A_60 = arith.constant 64 : index
      %swap3A_61 = tpu.vector_load %arg8[%swap3A_59, %swap3A_60] {strides = array<i32>} : memref<128x128xf32, #tpu.memory_space<vmem>>, vector<1x16xf32>,
      %swap3A_62 = vector.shape_cast %swap3A_61 : vector<1x16xf32> to vector<16xf32>
      %swap3A_63 = vector.shape_cast %broadcast_in_dim3A_58 : vector<16xf32> to vector<1x16xf32>
      tpu.vector_store %arg8[%swap3A_59, %swap3A_60], %swap3A_63 {strides = array<i32>} : memref<128x128xf32, #tpu.memory_space<vmem>>, vector<1x16xf32>,
      %broadcast_in_dim3A_64 = arith.constant 0.000000e+00 : f32
      %broadcast_in_dim3A_65 = vector.broadcast %broadcast_in_dim3A_64 : f32 to vector<16xf32>
      %swap3A_66 = arith.index_cast %scan3A_29 : i32 to index
      %swap3A_67 = arith.constant 80 : index
      %swap3A_68 = tpu.vector_load %arg8[%swap3A_66, %swap3A_67] {strides = array<i32>} : memref<128x128xf32, #tpu.memory_space<vmem>>, vector<1x16xf32>,
      %swap3A_69 = vector.shape_cast %swap3A_68 : vector<1x16xf32> to vector<16xf32>
      %swap3A_70 = vector.shape_cast %broadcast_in_dim3A_65 : vector<16xf32> to vector<1x16xf32>
      tpu.vector_store %arg8[%swap3A_66, %swap3A_67], %swap3A_70 {strides = array<i32>} : memref<128x128xf32, #tpu.memory_space<vmem>>, vector<1x16xf32>,
      %broadcast_in_dim3A_71 = arith.constant 0.000000e+00 : f32
      %broadcast_in_dim3A_72 = vector.broadcast %broadcast_in_dim3A_71 : f32 to vector<16xf32>
      %swap3A_73 = arith.index_cast %scan3A_29 : i32 to index
      %swap3A_74 = arith.constant 96 : index
      %swap3A_75 = tpu.vector_load %arg8[%swap3A_73, %swap3A_74] {strides = array<i32>} : memref<128x128xf32, #tpu.memory_space<vmem>>, vector<1x16xf32>,
      %swap3A_76 = vector.shape_cast %swap3A_75 : vector<1x16xf32> to vector<16xf32>
      %swap3A_77 = vector.shape_cast %broadcast_in_dim3A_72 : vector<16xf32> to vector<1x16xf32>
      tpu.vector_store %arg8[%swap3A_73, %swap3A_74], %swap3A_77 {strides = array<i32>} : memref<128x128xf32, #tpu.memory_space<vmem>>, vector<1x16xf32>,
      %broadcast_in_dim3A_78 = arith.constant 0.000000e+00 : f32
      %broadcast_in_dim3A_79 = vector.broadcast %broadcast_in_dim3A_78 : f32 to vector<16xf32>
      %swap3A_80 = arith.index_cast %scan3A_29 : i32 to index
      %swap3A_81 = arith.constant 112 : index
      %swap3A_82 = tpu.vector_load %arg8[%swap3A_80, %swap3A_81] {strides = array<i32>} : memref<128x128xf32, #tpu.memory_space<vmem>>, vector<1x16xf32>,
      %swap3A_83 = vector.shape_cast %swap3A_82 : vector<1x16xf32> to vector<16xf32>
      %swap3A_84 = vector.shape_cast %broadcast_in_dim3A_79 : vector<16xf32> to vector<1x16xf32>
      tpu.vector_store %arg8[%swap3A_80, %swap3A_81], %swap3A_84 {strides = array<i32>} : memref<128x128xf32, #tpu.memory_space<vmem>>, vector<1x16xf32>,
      %scan3A_85 = arith.constant 0 : i32
      scf.yield %scan3A_85 : i32
    }
    %scan3A_6 = arith.constant 128 : i32
    %scan3A_7 = arith.constant 0 : i32
    %scan3A_8 = arith.constant 0 : i32
    %scan3A_9 = arith.constant 5 : i32
    %scan3A_10 = arith.addi %scan3A_8, %scan3A_9 : i32
    %scan3A_11 = arith.constant 1 : i32
    %scan3A_12 = scf.for %scan3A_29 = %scan3A_8 to %scan3A_10 step %scan3A_11 iter_args(%scan3A_30 = %scan3A_7) -> (i32)  : i32 {
      %mul3A_31 = arith.constant 640 : i32
      %mul3A_32 = arith.muli %arg1, %mul3A_31 : i32
      %mul3A_33 = arith.constant 128 : i32
      %mul3A_34 = arith.muli %scan3A_29, %mul3A_33 : i32
      %add3A_35 = arith.addi %mul3A_32, %mul3A_34 : i32
      "tpu.region"() ({
        %run_scoped3A = tpu.sem_alloc : memref<!tpu.dma_semaphore, #tpu.memory_space<semaphore_mem>>
        %dma_start3A = arith.constant 0 : i32
        %dma_start3A_37 = tpu.memref_slice %arg9[%add3A_35, %dma_start3A] : memref<10240x128xf32, #tpu.memory_space<vmem_shared>> -> memref<128x128xf32, #tpu.memory_space<vmem_shared>>
        %dma_start3A_38 = arith.constant 0 : i32
        %dma_start3A_39 = tpu.memref_slice %arg9[%add3A_35, %dma_start3A_38] : memref<10240x128xf32, #tpu.memory_space<vmem_shared>> -> memref<128x128xf32, #tpu.memory_space<vmem_shared>>
        tpu.enqueue_dma source(%arg8 : memref<128x128xf32, #tpu.memory_space<vmem>>) target(%dma_start3A_39 : memref<128x128xf32, #tpu.memory_space<vmem_shared>>) target_semaphore(%run_scoped3A : memref<!tpu.dma_semaphore, #tpu.memory_space<semaphore_mem>>)
        %dma_wait3A = arith.constant 0 : i32
        %dma_wait3A_40 = tpu.memref_slice %arg9[%add3A_35, %dma_wait3A] : memref<10240x128xf32, #tpu.memory_space<vmem_shared>> -> memref<128x128xf32, #tpu.memory_space<vmem_shared>>
        %dma_wait3A_41 = arith.constant 0 : i32
        %dma_wait3A_42 = tpu.memref_slice %arg9[%add3A_35, %dma_wait3A_41] : memref<10240x128xf32, #tpu.memory_space<vmem_shared>> -> memref<128x128xf32, #tpu.memory_space<vmem_shared>>
        tpu.wait_dma2 semaphore(%run_scoped3A : memref<!tpu.dma_semaphore, #tpu.memory_space<semaphore_mem>>) src(%arg8 : memref<128x128xf32, #tpu.memory_space<vmem>>) dst(%dma_wait3A_42 : memref<128x128xf32, #tpu.memory_space<vmem_shared>>)
        tpu.yield
      }) : () -> ()
      %scan3A_36 = arith.constant 0 : i32
      scf.yield %scan3A_36 : i32
    }
    %scan3A_13 = arith.constant 5 : i32
    %barrier3A = arith.constant 0 : index
    tpu.barrier barrier_id(%barrier3A)
    %scan3A_14 = arith.constant 0 : i32
    %scan3A_15 = arith.constant 0 : i32
    %scan3A_16 = arith.constant 82 : i32
    %scan3A_17 = arith.addi %scan3A_15, %scan3A_16 : i32
    %scan3A_18 = arith.constant 1 : i32
    %scan3A_19 = scf.for %scan3A_29 = %scan3A_15 to %scan3A_17 step %scan3A_18 iter_args(%scan3A_30 = %scan3A_14) -> (i32)  : i32 {
      %dma_start3A = arith.constant 0 : i32
      %dma_start3A_31 = tpu.memref_slice %arg6[%scan3A_29, %dma_start3A] : memref<82x128xi32, #tpu.memory_space<vmem>> -> memref<1x128xi32, #tpu.memory_space<vmem>>
      %dma_start3A_32 = tpu.memref_squeeze %dma_start3A_31 : memref<1x128xi32, #tpu.memory_space<vmem>> -> memref<128xi32, #tpu.memory_space<vmem>>
      %dma_start3A_33 = arith.constant 0 : i32
      %dma_start3A_34 = arith.constant 0 : i32
      %dma_start3A_35 = tpu.memref_slice %arg4[%dma_start3A_33, %dma_start3A_34] : memref<10240x128xf32, #tpu.memory_space<hbm>> -> memref<10240x128xf32, #tpu.memory_space<hbm>>
      tpu.enqueue_indirect_dma source(%dma_start3A_35 : memref<10240x128xf32, #tpu.memory_space<hbm>>) target(%arg8 : memref<128x128xf32, #tpu.memory_space<vmem>>) offsets(%dma_start3A_32 : memref<128xi32, #tpu.memory_space<vmem>>) semaphore(%arg10 : memref<!tpu.dma_semaphore, #tpu.memory_space<semaphore_mem>>)
      %dma_wait3A = arith.constant 0 : i32
      %dma_wait3A_36 = tpu.memref_slice %arg6[%scan3A_29, %dma_wait3A] : memref<82x128xi32, #tpu.memory_space<vmem>> -> memref<1x128xi32, #tpu.memory_space<vmem>>
      %dma_wait3A_37 = tpu.memref_squeeze %dma_wait3A_36 : memref<1x128xi32, #tpu.memory_space<vmem>> -> memref<128xi32, #tpu.memory_space<vmem>>
      %dma_wait3A_38 = arith.constant 0 : i32
      %dma_wait3A_39 = arith.constant 0 : i32
      %dma_wait3A_40 = tpu.memref_slice %arg4[%dma_wait3A_38, %dma_wait3A_39] : memref<10240x128xf32, #tpu.memory_space<hbm>> -> memref<10240x128xf32, #tpu.memory_space<hbm>>
      tpu.wait_indirect_dma semaphore(%arg10 : memref<!tpu.dma_semaphore, #tpu.memory_space<semaphore_mem>>) src(%dma_wait3A_40 : memref<10240x128xf32, #tpu.memory_space<hbm>>) dst(%arg8 : memref<128x128xf32, #tpu.memory_space<vmem>>)
      "tpu.region"() ({
        %run_scoped3A = tpu.sem_alloc : memref<!tpu.dma_semaphore, #tpu.memory_space<semaphore_mem>>
        %dma_start3A_42 = arith.constant 0 : i32
        %dma_start3A_43 = tpu.memref_slice %arg7[%scan3A_29, %dma_start3A_42] : memref<82x128xi32, #tpu.memory_space<vmem>> -> memref<1x128xi32, #tpu.memory_space<vmem>>
        %dma_start3A_44 = tpu.memref_squeeze %dma_start3A_43 : memref<1x128xi32, #tpu.memory_space<vmem>> -> memref<128xi32, #tpu.memory_space<vmem>>
        %dma_start3A_45 = arith.constant 0 : i32
        %dma_start3A_46 = arith.constant 0 : i32
        %dma_start3A_47 = tpu.memref_slice %arg9[%dma_start3A_45, %dma_start3A_46] : memref<10240x128xf32, #tpu.memory_space<vmem_shared>> -> memref<10240x128xf32, #tpu.memory_space<vmem_shared>>
        tpu.enqueue_indirect_dma source(%arg8 : memref<128x128xf32, #tpu.memory_space<vmem>>) target(%dma_start3A_47 : memref<10240x128xf32, #tpu.memory_space<vmem_shared>>) offsets(%dma_start3A_44 : memref<128xi32, #tpu.memory_space<vmem>>) semaphore(%run_scoped3A : memref<!tpu.dma_semaphore, #tpu.memory_space<semaphore_mem>>) {add = true}
        %dma_wait3A_48 = arith.constant 0 : i32
        %dma_wait3A_49 = tpu.memref_slice %arg7[%scan3A_29, %dma_wait3A_48] : memref<82x128xi32, #tpu.memory_space<vmem>> -> memref<1x128xi32, #tpu.memory_space<vmem>>
        %dma_wait3A_50 = tpu.memref_squeeze %dma_wait3A_49 : memref<1x128xi32, #tpu.memory_space<vmem>> -> memref<128xi32, #tpu.memory_space<vmem>>
        %dma_wait3A_51 = arith.constant 0 : i32
        %dma_wait3A_52 = arith.constant 0 : i32
        %dma_wait3A_53 = tpu.memref_slice %arg9[%dma_wait3A_51, %dma_wait3A_52] : memref<10240x128xf32, #tpu.memory_space<vmem_shared>> -> memref<10240x128xf32, #tpu.memory_space<vmem_shared>>
        tpu.wait_indirect_dma semaphore(%run_scoped3A : memref<!tpu.dma_semaphore, #tpu.memory_space<semaphore_mem>>) src(%arg8 : memref<128x128xf32, #tpu.memory_space<vmem>>) dst(%dma_wait3A_53 : memref<10240x128xf32, #tpu.memory_space<vmem_shared>>)
        tpu.yield
      }) : () -> ()
      %scan3A_41 = arith.constant 0 : i32
      scf.yield %scan3A_41 : i32
    }
    %scan3A_20 = arith.constant 82 : i32
    %barrier3A_21 = arith.constant 0 : index
    tpu.barrier barrier_id(%barrier3A_21)
    %scan3A_22 = arith.constant 0 : i32
    %scan3A_23 = arith.constant 0 : i32
    %scan3A_24 = arith.constant 5 : i32
    %scan3A_25 = arith.addi %scan3A_23, %scan3A_24 : i32
    %scan3A_26 = arith.constant 1 : i32
    %scan3A_27 = scf.for %scan3A_29 = %scan3A_23 to %scan3A_25 step %scan3A_26 iter_args(%scan3A_30 = %scan3A_22) -> (i32)  : i32 {
      %mul3A_31 = arith.constant 640 : i32
      %mul3A_32 = arith.muli %arg1, %mul3A_31 : i32
      %mul3A_33 = arith.constant 128 : i32
      %mul3A_34 = arith.muli %scan3A_29, %mul3A_33 : i32
      %add3A_35 = arith.addi %mul3A_32, %mul3A_34 : i32
      "tpu.region"() ({
        %run_scoped3A = tpu.sem_alloc : memref<!tpu.dma_semaphore, #tpu.memory_space<semaphore_mem>>
        %dma_start3A = arith.constant 0 : i32
        %dma_start3A_37 = tpu.memref_slice %arg5[%arg0, %add3A_35, %dma_start3A] : memref<2x10240x128xf32, #tpu.memory_space<hbm>> -> memref<1x128x128xf32, #tpu.memory_space<hbm>>
        %dma_start3A_38 = tpu.memref_squeeze %dma_start3A_37 : memref<1x128x128xf32, #tpu.memory_space<hbm>> -> memref<128x128xf32, #tpu.memory_space<hbm>>
        %dma_start3A_39 = arith.constant 0 : i32
        %dma_start3A_40 = tpu.memref_slice %arg9[%add3A_35, %dma_start3A_39] : memref<10240x128xf32, #tpu.memory_space<vmem_shared>> -> memref<128x128xf32, #tpu.memory_space<vmem_shared>>
        tpu.enqueue_dma source(%dma_start3A_40 : memref<128x128xf32, #tpu.memory_space<vmem_shared>>) target(%dma_start3A_38 : memref<128x128xf32, #tpu.memory_space<hbm>>) target_semaphore(%run_scoped3A : memref<!tpu.dma_semaphore, #tpu.memory_space<semaphore_mem>>)
        %dma_wait3A = arith.constant 0 : i32
        %dma_wait3A_41 = tpu.memref_slice %arg5[%arg0, %add3A_35, %dma_wait3A] : memref<2x10240x128xf32, #tpu.memory_space<hbm>> -> memref<1x128x128xf32, #tpu.memory_space<hbm>>
        %dma_wait3A_42 = tpu.memref_squeeze %dma_wait3A_41 : memref<1x128x128xf32, #tpu.memory_space<hbm>> -> memref<128x128xf32, #tpu.memory_space<hbm>>
        %dma_wait3A_43 = arith.constant 0 : i32
        %dma_wait3A_44 = tpu.memref_slice %arg9[%add3A_35, %dma_wait3A_43] : memref<10240x128xf32, #tpu.memory_space<vmem_shared>> -> memref<128x128xf32, #tpu.memory_space<vmem_shared>>
        tpu.wait_dma2 semaphore(%run_scoped3A : memref<!tpu.dma_semaphore, #tpu.memory_space<semaphore_mem>>) src(%dma_wait3A_44 : memref<128x128xf32, #tpu.memory_space<vmem_shared>>) dst(%dma_wait3A_42 : memref<128x128xf32, #tpu.memory_space<hbm>>)
        tpu.yield
      }) : () -> ()
      %scan3A_36 = arith.constant 0 : i32
      scf.yield %scan3A_36 : i32
    }
    %scan3A_28 = arith.constant 5 : i32
    return
  }
}

#map = affine_map<(d0, d1) -> (0, 0, 0)>
#map1 = affine_map<(d0, d1) -> (0, 0)>
module attributes {stable_mosaic.version = 14 : i64} {
  func.func @_prop_body(%arg0: i32, %arg1: i32, %arg2: memref<32x82x128xi32, #tpu.memory_space<hbm>>, %arg3: memref<32x82x128xi32, #tpu.memory_space<hbm>>, %arg4: memref<10240x128xf32, #tpu.memory_space<hbm>>, %arg5: memref<2x10240x128xf32, #tpu.memory_space<hbm>>, %arg6: memref<82x128xi32, #tpu.memory_space<vmem>>, %arg7: memref<82x128xi32, #tpu.memory_space<vmem>>, %arg8: memref<128x128xf32, #tpu.memory_space<vmem>>, %arg9: memref<10240x128xf32, #tpu.memory_space<vmem_shared>>, %arg10: memref<!tpu.dma_semaphore, #tpu.memory_space<semaphore_mem>>) attributes {dimension_semantics = [#tpu.dimension_semantics<core_parallel>, #tpu.dimension_semantics<subcore_parallel>], iteration_bounds = array<i64: 2, 16>, scalar_prefetch = 0 : i64, scratch_operands = 5 : i64, tpu.core_type = #tpu.core_type<sc_vector_subcore>, window_params = [{transform_indices = #map}, {transform_indices = #map}, {transform_indices = #map1}, {transform_indices = #map}]} {
    %mul3A = arith.constant 16 : i32
    %mul3A_0 = arith.muli %arg0, %mul3A : i32
    %add3A = arith.addi %mul3A_0, %arg1 : i32
    "tpu.region"() ({
      %run_scoped3A = tpu.sem_alloc : memref<!tpu.dma_semaphore, #tpu.memory_space<semaphore_mem>>
      %dma_start3A = arith.constant 0 : i32
      %dma_start3A_29 = arith.constant 0 : i32
      %dma_start3A_30 = tpu.memref_slice %arg2[%add3A, %dma_start3A, %dma_start3A_29] : memref<32x82x128xi32, #tpu.memory_space<hbm>> -> memref<1x82x128xi32, #tpu.memory_space<hbm>>
      %dma_start3A_31 = tpu.memref_squeeze %dma_start3A_30 : memref<1x82x128xi32, #tpu.memory_space<hbm>> -> memref<82x128xi32, #tpu.memory_space<hbm>>
      %dma_start3A_32 = arith.constant 0 : i32
      %dma_start3A_33 = arith.constant 0 : i32
      %dma_start3A_34 = tpu.memref_slice %arg2[%add3A, %dma_start3A_32, %dma_start3A_33] : memref<32x82x128xi32, #tpu.memory_space<hbm>> -> memref<1x82x128xi32, #tpu.memory_space<hbm>>
      %dma_start3A_35 = tpu.memref_squeeze %dma_start3A_34 : memref<1x82x128xi32, #tpu.memory_space<hbm>> -> memref<82x128xi32, #tpu.memory_space<hbm>>
      tpu.enqueue_dma source(%dma_start3A_35 : memref<82x128xi32, #tpu.memory_space<hbm>>) target(%arg6 : memref<82x128xi32, #tpu.memory_space<vmem>>) target_semaphore(%run_scoped3A : memref<!tpu.dma_semaphore, #tpu.memory_space<semaphore_mem>>)
      %dma_wait3A = arith.constant 0 : i32
      %dma_wait3A_36 = arith.constant 0 : i32
      %dma_wait3A_37 = tpu.memref_slice %arg2[%add3A, %dma_wait3A, %dma_wait3A_36] : memref<32x82x128xi32, #tpu.memory_space<hbm>> -> memref<1x82x128xi32, #tpu.memory_space<hbm>>
      %dma_wait3A_38 = tpu.memref_squeeze %dma_wait3A_37 : memref<1x82x128xi32, #tpu.memory_space<hbm>> -> memref<82x128xi32, #tpu.memory_space<hbm>>
      %dma_wait3A_39 = arith.constant 0 : i32
      %dma_wait3A_40 = arith.constant 0 : i32
      %dma_wait3A_41 = tpu.memref_slice %arg2[%add3A, %dma_wait3A_39, %dma_wait3A_40] : memref<32x82x128xi32, #tpu.memory_space<hbm>> -> memref<1x82x128xi32, #tpu.memory_space<hbm>>
      %dma_wait3A_42 = tpu.memref_squeeze %dma_wait3A_41 : memref<1x82x128xi32, #tpu.memory_space<hbm>> -> memref<82x128xi32, #tpu.memory_space<hbm>>
      tpu.wait_dma2 semaphore(%run_scoped3A : memref<!tpu.dma_semaphore, #tpu.memory_space<semaphore_mem>>) src(%dma_wait3A_42 : memref<82x128xi32, #tpu.memory_space<hbm>>) dst(%arg6 : memref<82x128xi32, #tpu.memory_space<vmem>>)
      tpu.yield
    }) : () -> ()
    "tpu.region"() ({
      %run_scoped3A = tpu.sem_alloc : memref<!tpu.dma_semaphore, #tpu.memory_space<semaphore_mem>>
      %dma_start3A = arith.constant 0 : i32
      %dma_start3A_29 = arith.constant 0 : i32
      %dma_start3A_30 = tpu.memref_slice %arg3[%add3A, %dma_start3A, %dma_start3A_29] : memref<32x82x128xi32, #tpu.memory_space<hbm>> -> memref<1x82x128xi32, #tpu.memory_space<hbm>>
      %dma_start3A_31 = tpu.memref_squeeze %dma_start3A_30 : memref<1x82x128xi32, #tpu.memory_space<hbm>> -> memref<82x128xi32, #tpu.memory_space<hbm>>
      %dma_start3A_32 = arith.constant 0 : i32
      %dma_start3A_33 = arith.constant 0 : i32
      %dma_start3A_34 = tpu.memref_slice %arg3[%add3A, %dma_start3A_32, %dma_start3A_33] : memref<32x82x128xi32, #tpu.memory_space<hbm>> -> memref<1x82x128xi32, #tpu.memory_space<hbm>>
      %dma_start3A_35 = tpu.memref_squeeze %dma_start3A_34 : memref<1x82x128xi32, #tpu.memory_space<hbm>> -> memref<82x128xi32, #tpu.memory_space<hbm>>
      tpu.enqueue_dma source(%dma_start3A_35 : memref<82x128xi32, #tpu.memory_space<hbm>>) target(%arg7 : memref<82x128xi32, #tpu.memory_space<vmem>>) target_semaphore(%run_scoped3A : memref<!tpu.dma_semaphore, #tpu.memory_space<semaphore_mem>>)
      %dma_wait3A = arith.constant 0 : i32
      %dma_wait3A_36 = arith.constant 0 : i32
      %dma_wait3A_37 = tpu.memref_slice %arg3[%add3A, %dma_wait3A, %dma_wait3A_36] : memref<32x82x128xi32, #tpu.memory_space<hbm>> -> memref<1x82x128xi32, #tpu.memory_space<hbm>>
      %dma_wait3A_38 = tpu.memref_squeeze %dma_wait3A_37 : memref<1x82x128xi32, #tpu.memory_space<hbm>> -> memref<82x128xi32, #tpu.memory_space<hbm>>
      %dma_wait3A_39 = arith.constant 0 : i32
      %dma_wait3A_40 = arith.constant 0 : i32
      %dma_wait3A_41 = tpu.memref_slice %arg3[%add3A, %dma_wait3A_39, %dma_wait3A_40] : memref<32x82x128xi32, #tpu.memory_space<hbm>> -> memref<1x82x128xi32, #tpu.memory_space<hbm>>
      %dma_wait3A_42 = tpu.memref_squeeze %dma_wait3A_41 : memref<1x82x128xi32, #tpu.memory_space<hbm>> -> memref<82x128xi32, #tpu.memory_space<hbm>>
      tpu.wait_dma2 semaphore(%run_scoped3A : memref<!tpu.dma_semaphore, #tpu.memory_space<semaphore_mem>>) src(%dma_wait3A_42 : memref<82x128xi32, #tpu.memory_space<hbm>>) dst(%arg7 : memref<82x128xi32, #tpu.memory_space<vmem>>)
      tpu.yield
    }) : () -> ()
    %scan3A = arith.constant 0 : i32
    %scan3A_1 = arith.constant 0 : i32
    %scan3A_2 = arith.constant 128 : i32
    %scan3A_3 = arith.addi %scan3A_1, %scan3A_2 : i32
    %scan3A_4 = arith.constant 1 : i32
    %scan3A_5 = scf.for %scan3A_29 = %scan3A_1 to %scan3A_3 step %scan3A_4 iter_args(%scan3A_30 = %scan3A) -> (i32)  : i32 {
      %broadcast_in_dim3A = arith.constant 0.000000e+00 : f32
      %broadcast_in_dim3A_31 = vector.broadcast %broadcast_in_dim3A : f32 to vector<16xf32>
      %swap3A = arith.index_cast %scan3A_29 : i32 to index
      %swap3A_32 = arith.constant 0 : index
      %swap3A_33 = tpu.vector_load %arg8[%swap3A, %swap3A_32] {strides = array<i32>} : memref<128x128xf32, #tpu.memory_space<vmem>>, vector<1x16xf32>,
      %swap3A_34 = vector.shape_cast %swap3A_33 : vector<1x16xf32> to vector<16xf32>
      %swap3A_35 = vector.shape_cast %broadcast_in_dim3A_31 : vector<16xf32> to vector<1x16xf32>
      tpu.vector_store %arg8[%swap3A, %swap3A_32], %swap3A_35 {strides = array<i32>} : memref<128x128xf32, #tpu.memory_space<vmem>>, vector<1x16xf32>,
      %broadcast_in_dim3A_36 = arith.constant 0.000000e+00 : f32
      %broadcast_in_dim3A_37 = vector.broadcast %broadcast_in_dim3A_36 : f32 to vector<16xf32>
      %swap3A_38 = arith.index_cast %scan3A_29 : i32 to index
      %swap3A_39 = arith.constant 16 : index
      %swap3A_40 = tpu.vector_load %arg8[%swap3A_38, %swap3A_39] {strides = array<i32>} : memref<128x128xf32, #tpu.memory_space<vmem>>, vector<1x16xf32>,
      %swap3A_41 = vector.shape_cast %swap3A_40 : vector<1x16xf32> to vector<16xf32>
      %swap3A_42 = vector.shape_cast %broadcast_in_dim3A_37 : vector<16xf32> to vector<1x16xf32>
      tpu.vector_store %arg8[%swap3A_38, %swap3A_39], %swap3A_42 {strides = array<i32>} : memref<128x128xf32, #tpu.memory_space<vmem>>, vector<1x16xf32>,
      %broadcast_in_dim3A_43 = arith.constant 0.000000e+00 : f32
      %broadcast_in_dim3A_44 = vector.broadcast %broadcast_in_dim3A_43 : f32 to vector<16xf32>
      %swap3A_45 = arith.index_cast %scan3A_29 : i32 to index
      %swap3A_46 = arith.constant 32 : index
      %swap3A_47 = tpu.vector_load %arg8[%swap3A_45, %swap3A_46] {strides = array<i32>} : memref<128x128xf32, #tpu.memory_space<vmem>>, vector<1x16xf32>,
      %swap3A_48 = vector.shape_cast %swap3A_47 : vector<1x16xf32> to vector<16xf32>
      %swap3A_49 = vector.shape_cast %broadcast_in_dim3A_44 : vector<16xf32> to vector<1x16xf32>
      tpu.vector_store %arg8[%swap3A_45, %swap3A_46], %swap3A_49 {strides = array<i32>} : memref<128x128xf32, #tpu.memory_space<vmem>>, vector<1x16xf32>,
      %broadcast_in_dim3A_50 = arith.constant 0.000000e+00 : f32
      %broadcast_in_dim3A_51 = vector.broadcast %broadcast_in_dim3A_50 : f32 to vector<16xf32>
      %swap3A_52 = arith.index_cast %scan3A_29 : i32 to index
      %swap3A_53 = arith.constant 48 : index
      %swap3A_54 = tpu.vector_load %arg8[%swap3A_52, %swap3A_53] {strides = array<i32>} : memref<128x128xf32, #tpu.memory_space<vmem>>, vector<1x16xf32>,
      %swap3A_55 = vector.shape_cast %swap3A_54 : vector<1x16xf32> to vector<16xf32>
      %swap3A_56 = vector.shape_cast %broadcast_in_dim3A_51 : vector<16xf32> to vector<1x16xf32>
      tpu.vector_store %arg8[%swap3A_52, %swap3A_53], %swap3A_56 {strides = array<i32>} : memref<128x128xf32, #tpu.memory_space<vmem>>, vector<1x16xf32>,
      %broadcast_in_dim3A_57 = arith.constant 0.000000e+00 : f32
      %broadcast_in_dim3A_58 = vector.broadcast %broadcast_in_dim3A_57 : f32 to vector<16xf32>
      %swap3A_59 = arith.index_cast %scan3A_29 : i32 to index
      %swap3A_60 = arith.constant 64 : index
      %swap3A_61 = tpu.vector_load %arg8[%swap3A_59, %swap3A_60] {strides = array<i32>} : memref<128x128xf32, #tpu.memory_space<vmem>>, vector<1x16xf32>,
      %swap3A_62 = vector.shape_cast %swap3A_61 : vector<1x16xf32> to vector<16xf32>
      %swap3A_63 = vector.shape_cast %broadcast_in_dim3A_58 : vector<16xf32> to vector<1x16xf32>
      tpu.vector_store %arg8[%swap3A_59, %swap3A_60], %swap3A_63 {strides = array<i32>} : memref<128x128xf32, #tpu.memory_space<vmem>>, vector<1x16xf32>,
      %broadcast_in_dim3A_64 = arith.constant 0.000000e+00 : f32
      %broadcast_in_dim3A_65 = vector.broadcast %broadcast_in_dim3A_64 : f32 to vector<16xf32>
      %swap3A_66 = arith.index_cast %scan3A_29 : i32 to index
      %swap3A_67 = arith.constant 80 : index
      %swap3A_68 = tpu.vector_load %arg8[%swap3A_66, %swap3A_67] {strides = array<i32>} : memref<128x128xf32, #tpu.memory_space<vmem>>, vector<1x16xf32>,
      %swap3A_69 = vector.shape_cast %swap3A_68 : vector<1x16xf32> to vector<16xf32>
      %swap3A_70 = vector.shape_cast %broadcast_in_dim3A_65 : vector<16xf32> to vector<1x16xf32>
      tpu.vector_store %arg8[%swap3A_66, %swap3A_67], %swap3A_70 {strides = array<i32>} : memref<128x128xf32, #tpu.memory_space<vmem>>, vector<1x16xf32>,
      %broadcast_in_dim3A_71 = arith.constant 0.000000e+00 : f32
      %broadcast_in_dim3A_72 = vector.broadcast %broadcast_in_dim3A_71 : f32 to vector<16xf32>
      %swap3A_73 = arith.index_cast %scan3A_29 : i32 to index
      %swap3A_74 = arith.constant 96 : index
      %swap3A_75 = tpu.vector_load %arg8[%swap3A_73, %swap3A_74] {strides = array<i32>} : memref<128x128xf32, #tpu.memory_space<vmem>>, vector<1x16xf32>,
      %swap3A_76 = vector.shape_cast %swap3A_75 : vector<1x16xf32> to vector<16xf32>
      %swap3A_77 = vector.shape_cast %broadcast_in_dim3A_72 : vector<16xf32> to vector<1x16xf32>
      tpu.vector_store %arg8[%swap3A_73, %swap3A_74], %swap3A_77 {strides = array<i32>} : memref<128x128xf32, #tpu.memory_space<vmem>>, vector<1x16xf32>,
      %broadcast_in_dim3A_78 = arith.constant 0.000000e+00 : f32
      %broadcast_in_dim3A_79 = vector.broadcast %broadcast_in_dim3A_78 : f32 to vector<16xf32>
      %swap3A_80 = arith.index_cast %scan3A_29 : i32 to index
      %swap3A_81 = arith.constant 112 : index
      %swap3A_82 = tpu.vector_load %arg8[%swap3A_80, %swap3A_81] {strides = array<i32>} : memref<128x128xf32, #tpu.memory_space<vmem>>, vector<1x16xf32>,
      %swap3A_83 = vector.shape_cast %swap3A_82 : vector<1x16xf32> to vector<16xf32>
      %swap3A_84 = vector.shape_cast %broadcast_in_dim3A_79 : vector<16xf32> to vector<1x16xf32>
      tpu.vector_store %arg8[%swap3A_80, %swap3A_81], %swap3A_84 {strides = array<i32>} : memref<128x128xf32, #tpu.memory_space<vmem>>, vector<1x16xf32>,
      %scan3A_85 = arith.constant 0 : i32
      scf.yield %scan3A_85 : i32
    }
    %scan3A_6 = arith.constant 128 : i32
    %scan3A_7 = arith.constant 0 : i32
    %scan3A_8 = arith.constant 0 : i32
    %scan3A_9 = arith.constant 5 : i32
    %scan3A_10 = arith.addi %scan3A_8, %scan3A_9 : i32
    %scan3A_11 = arith.constant 1 : i32
    %scan3A_12 = scf.for %scan3A_29 = %scan3A_8 to %scan3A_10 step %scan3A_11 iter_args(%scan3A_30 = %scan3A_7) -> (i32)  : i32 {
      %mul3A_31 = arith.constant 640 : i32
      %mul3A_32 = arith.muli %arg1, %mul3A_31 : i32
      %mul3A_33 = arith.constant 128 : i32
      %mul3A_34 = arith.muli %scan3A_29, %mul3A_33 : i32
      %add3A_35 = arith.addi %mul3A_32, %mul3A_34 : i32
      "tpu.region"() ({
        %run_scoped3A = tpu.sem_alloc : memref<!tpu.dma_semaphore, #tpu.memory_space<semaphore_mem>>
        %dma_start3A = arith.constant 0 : i32
        %dma_start3A_37 = tpu.memref_slice %arg9[%add3A_35, %dma_start3A] : memref<10240x128xf32, #tpu.memory_space<vmem_shared>> -> memref<128x128xf32, #tpu.memory_space<vmem_shared>>
        %dma_start3A_38 = arith.constant 0 : i32
        %dma_start3A_39 = tpu.memref_slice %arg9[%add3A_35, %dma_start3A_38] : memref<10240x128xf32, #tpu.memory_space<vmem_shared>> -> memref<128x128xf32, #tpu.memory_space<vmem_shared>>
        tpu.enqueue_dma source(%arg8 : memref<128x128xf32, #tpu.memory_space<vmem>>) target(%dma_start3A_39 : memref<128x128xf32, #tpu.memory_space<vmem_shared>>) target_semaphore(%run_scoped3A : memref<!tpu.dma_semaphore, #tpu.memory_space<semaphore_mem>>)
        %dma_wait3A = arith.constant 0 : i32
        %dma_wait3A_40 = tpu.memref_slice %arg9[%add3A_35, %dma_wait3A] : memref<10240x128xf32, #tpu.memory_space<vmem_shared>> -> memref<128x128xf32, #tpu.memory_space<vmem_shared>>
        %dma_wait3A_41 = arith.constant 0 : i32
        %dma_wait3A_42 = tpu.memref_slice %arg9[%add3A_35, %dma_wait3A_41] : memref<10240x128xf32, #tpu.memory_space<vmem_shared>> -> memref<128x128xf32, #tpu.memory_space<vmem_shared>>
        tpu.wait_dma2 semaphore(%run_scoped3A : memref<!tpu.dma_semaphore, #tpu.memory_space<semaphore_mem>>) src(%arg8 : memref<128x128xf32, #tpu.memory_space<vmem>>) dst(%dma_wait3A_42 : memref<128x128xf32, #tpu.memory_space<vmem_shared>>)
        tpu.yield
      }) : () -> ()
      %scan3A_36 = arith.constant 0 : i32
      scf.yield %scan3A_36 : i32
    }
    %scan3A_13 = arith.constant 5 : i32
    %barrier3A = arith.constant 0 : index
    tpu.barrier barrier_id(%barrier3A)
    %scan3A_14 = arith.constant 0 : i32
    %scan3A_15 = arith.constant 0 : i32
    %scan3A_16 = arith.constant 82 : i32
    %scan3A_17 = arith.addi %scan3A_15, %scan3A_16 : i32
    %scan3A_18 = arith.constant 1 : i32
    %scan3A_19 = scf.for %scan3A_29 = %scan3A_15 to %scan3A_17 step %scan3A_18 iter_args(%scan3A_30 = %scan3A_14) -> (i32)  : i32 {
      %dma_start3A = arith.constant 0 : i32
      %dma_start3A_31 = tpu.memref_slice %arg6[%scan3A_29, %dma_start3A] : memref<82x128xi32, #tpu.memory_space<vmem>> -> memref<1x128xi32, #tpu.memory_space<vmem>>
      %dma_start3A_32 = tpu.memref_squeeze %dma_start3A_31 : memref<1x128xi32, #tpu.memory_space<vmem>> -> memref<128xi32, #tpu.memory_space<vmem>>
      %dma_start3A_33 = arith.constant 0 : i32
      %dma_start3A_34 = arith.constant 0 : i32
      %dma_start3A_35 = tpu.memref_slice %arg4[%dma_start3A_33, %dma_start3A_34] : memref<10240x128xf32, #tpu.memory_space<hbm>> -> memref<10240x128xf32, #tpu.memory_space<hbm>>
      tpu.enqueue_indirect_dma source(%dma_start3A_35 : memref<10240x128xf32, #tpu.memory_space<hbm>>) target(%arg8 : memref<128x128xf32, #tpu.memory_space<vmem>>) offsets(%dma_start3A_32 : memref<128xi32, #tpu.memory_space<vmem>>) semaphore(%arg10 : memref<!tpu.dma_semaphore, #tpu.memory_space<semaphore_mem>>)
      %dma_wait3A = arith.constant 0 : i32
      %dma_wait3A_36 = tpu.memref_slice %arg6[%scan3A_29, %dma_wait3A] : memref<82x128xi32, #tpu.memory_space<vmem>> -> memref<1x128xi32, #tpu.memory_space<vmem>>
      %dma_wait3A_37 = tpu.memref_squeeze %dma_wait3A_36 : memref<1x128xi32, #tpu.memory_space<vmem>> -> memref<128xi32, #tpu.memory_space<vmem>>
      %dma_wait3A_38 = arith.constant 0 : i32
      %dma_wait3A_39 = arith.constant 0 : i32
      %dma_wait3A_40 = tpu.memref_slice %arg4[%dma_wait3A_38, %dma_wait3A_39] : memref<10240x128xf32, #tpu.memory_space<hbm>> -> memref<10240x128xf32, #tpu.memory_space<hbm>>
      tpu.wait_indirect_dma semaphore(%arg10 : memref<!tpu.dma_semaphore, #tpu.memory_space<semaphore_mem>>) src(%dma_wait3A_40 : memref<10240x128xf32, #tpu.memory_space<hbm>>) dst(%arg8 : memref<128x128xf32, #tpu.memory_space<vmem>>)
      "tpu.region"() ({
        %run_scoped3A = tpu.sem_alloc : memref<!tpu.dma_semaphore, #tpu.memory_space<semaphore_mem>>
        %dma_start3A_42 = arith.constant 0 : i32
        %dma_start3A_43 = tpu.memref_slice %arg7[%scan3A_29, %dma_start3A_42] : memref<82x128xi32, #tpu.memory_space<vmem>> -> memref<1x128xi32, #tpu.memory_space<vmem>>
        %dma_start3A_44 = tpu.memref_squeeze %dma_start3A_43 : memref<1x128xi32, #tpu.memory_space<vmem>> -> memref<128xi32, #tpu.memory_space<vmem>>
        %dma_start3A_45 = arith.constant 0 : i32
        %dma_start3A_46 = arith.constant 0 : i32
        %dma_start3A_47 = tpu.memref_slice %arg9[%dma_start3A_45, %dma_start3A_46] : memref<10240x128xf32, #tpu.memory_space<vmem_shared>> -> memref<10240x128xf32, #tpu.memory_space<vmem_shared>>
        tpu.enqueue_indirect_dma source(%arg8 : memref<128x128xf32, #tpu.memory_space<vmem>>) target(%dma_start3A_47 : memref<10240x128xf32, #tpu.memory_space<vmem_shared>>) offsets(%dma_start3A_44 : memref<128xi32, #tpu.memory_space<vmem>>) semaphore(%run_scoped3A : memref<!tpu.dma_semaphore, #tpu.memory_space<semaphore_mem>>) {add = true}
        %dma_wait3A_48 = arith.constant 0 : i32
        %dma_wait3A_49 = tpu.memref_slice %arg7[%scan3A_29, %dma_wait3A_48] : memref<82x128xi32, #tpu.memory_space<vmem>> -> memref<1x128xi32, #tpu.memory_space<vmem>>
        %dma_wait3A_50 = tpu.memref_squeeze %dma_wait3A_49 : memref<1x128xi32, #tpu.memory_space<vmem>> -> memref<128xi32, #tpu.memory_space<vmem>>
        %dma_wait3A_51 = arith.constant 0 : i32
        %dma_wait3A_52 = arith.constant 0 : i32
        %dma_wait3A_53 = tpu.memref_slice %arg9[%dma_wait3A_51, %dma_wait3A_52] : memref<10240x128xf32, #tpu.memory_space<vmem_shared>> -> memref<10240x128xf32, #tpu.memory_space<vmem_shared>>
        tpu.wait_indirect_dma semaphore(%run_scoped3A : memref<!tpu.dma_semaphore, #tpu.memory_space<semaphore_mem>>) src(%arg8 : memref<128x128xf32, #tpu.memory_space<vmem>>) dst(%dma_wait3A_53 : memref<10240x128xf32, #tpu.memory_space<vmem_shared>>)
        tpu.yield
      }) : () -> ()
      %scan3A_41 = arith.constant 0 : i32
      scf.yield %scan3A_41 : i32
    }
    %scan3A_20 = arith.constant 82 : i32
    %barrier3A_21 = arith.constant 0 : index
    tpu.barrier barrier_id(%barrier3A_21)
    %scan3A_22 = arith.constant 0 : i32
    %scan3A_23 = arith.constant 0 : i32
    %scan3A_24 = arith.constant 5 : i32
    %scan3A_25 = arith.addi %scan3A_23, %scan3A_24 : i32
    %scan3A_26 = arith.constant 1 : i32
    %scan3A_27 = scf.for %scan3A_29 = %scan3A_23 to %scan3A_25 step %scan3A_26 iter_args(%scan3A_30 = %scan3A_22) -> (i32)  : i32 {
      %mul3A_31 = arith.constant 640 : i32
      %mul3A_32 = arith.muli %arg1, %mul3A_31 : i32
      %mul3A_33 = arith.constant 128 : i32
      %mul3A_34 = arith.muli %scan3A_29, %mul3A_33 : i32
      %add3A_35 = arith.addi %mul3A_32, %mul3A_34 : i32
      "tpu.region"() ({
        %run_scoped3A = tpu.sem_alloc : memref<!tpu.dma_semaphore, #tpu.memory_space<semaphore_mem>>
        %dma_start3A = arith.constant 0 : i32
        %dma_start3A_37 = tpu.memref_slice %arg5[%arg0, %add3A_35, %dma_start3A] : memref<2x10240x128xf32, #tpu.memory_space<hbm>> -> memref<1x128x128xf32, #tpu.memory_space<hbm>>
        %dma_start3A_38 = tpu.memref_squeeze %dma_start3A_37 : memref<1x128x128xf32, #tpu.memory_space<hbm>> -> memref<128x128xf32, #tpu.memory_space<hbm>>
        %dma_start3A_39 = arith.constant 0 : i32
        %dma_start3A_40 = tpu.memref_slice %arg9[%add3A_35, %dma_start3A_39] : memref<10240x128xf32, #tpu.memory_space<vmem_shared>> -> memref<128x128xf32, #tpu.memory_space<vmem_shared>>
        tpu.enqueue_dma source(%dma_start3A_40 : memref<128x128xf32, #tpu.memory_space<vmem_shared>>) target(%dma_start3A_38 : memref<128x128xf32, #tpu.memory_space<hbm>>) target_semaphore(%run_scoped3A : memref<!tpu.dma_semaphore, #tpu.memory_space<semaphore_mem>>)
        %dma_wait3A = arith.constant 0 : i32
        %dma_wait3A_41 = tpu.memref_slice %arg5[%arg0, %add3A_35, %dma_wait3A] : memref<2x10240x128xf32, #tpu.memory_space<hbm>> -> memref<1x128x128xf32, #tpu.memory_space<hbm>>
        %dma_wait3A_42 = tpu.memref_squeeze %dma_wait3A_41 : memref<1x128x128xf32, #tpu.memory_space<hbm>> -> memref<128x128xf32, #tpu.memory_space<hbm>>
        %dma_wait3A_43 = arith.constant 0 : i32
        %dma_wait3A_44 = tpu.memref_slice %arg9[%add3A_35, %dma_wait3A_43] : memref<10240x128xf32, #tpu.memory_space<vmem_shared>> -> memref<128x128xf32, #tpu.memory_space<vmem_shared>>
        tpu.wait_dma2 semaphore(%run_scoped3A : memref<!tpu.dma_semaphore, #tpu.memory_space<semaphore_mem>>) src(%dma_wait3A_44 : memref<128x128xf32, #tpu.memory_space<vmem_shared>>) dst(%dma_wait3A_42 : memref<128x128xf32, #tpu.memory_space<hbm>>)
        tpu.yield
      }) : () -> ()
      %scan3A_36 = arith.constant 0 : i32
      scf.yield %scan3A_36 : i32
    }
    %scan3A_28 = arith.constant 5 : i32
    return
  }
}

#map = affine_map<(d0, d1) -> (0, 0, 0)>
#map1 = affine_map<(d0, d1) -> (0, 0)>
module attributes {stable_mosaic.version = 14 : i64} {
  func.func @_deg_body(%arg0: i32, %arg1: i32, %arg2: memref<32x82x128xi32, #tpu.memory_space<hbm>>, %arg3: memref<2x10240xf32, #tpu.memory_space<hbm>>, %arg4: memref<82x128xi32, #tpu.memory_space<vmem>>, %arg5: memref<128xf32, #tpu.memory_space<vmem>>, %arg6: memref<640xf32, #tpu.memory_space<vmem>>, %arg7: memref<10240xf32, #tpu.memory_space<vmem_shared>>) attributes {dimension_semantics = [#tpu.dimension_semantics<core_parallel>, #tpu.dimension_semantics<subcore_parallel>], iteration_bounds = array<i64: 2, 16>, scalar_prefetch = 0 : i64, scratch_operands = 4 : i64, tpu.core_type = #tpu.core_type<sc_vector_subcore>, window_params = [{transform_indices = #map}, {transform_indices = #map1}]} {
    %mul3A = arith.constant 16 : i32
    %mul3A_0 = arith.muli %arg0, %mul3A : i32
    %add3A = arith.addi %mul3A_0, %arg1 : i32
    "tpu.region"() ({
      %run_scoped3A = tpu.sem_alloc : memref<!tpu.dma_semaphore, #tpu.memory_space<semaphore_mem>>
      %dma_start3A = arith.constant 0 : i32
      %dma_start3A_28 = arith.constant 0 : i32
      %dma_start3A_29 = tpu.memref_slice %arg2[%add3A, %dma_start3A, %dma_start3A_28] : memref<32x82x128xi32, #tpu.memory_space<hbm>> -> memref<1x82x128xi32, #tpu.memory_space<hbm>>
      %dma_start3A_30 = tpu.memref_squeeze %dma_start3A_29 : memref<1x82x128xi32, #tpu.memory_space<hbm>> -> memref<82x128xi32, #tpu.memory_space<hbm>>
      %dma_start3A_31 = arith.constant 0 : i32
      %dma_start3A_32 = arith.constant 0 : i32
      %dma_start3A_33 = tpu.memref_slice %arg2[%add3A, %dma_start3A_31, %dma_start3A_32] : memref<32x82x128xi32, #tpu.memory_space<hbm>> -> memref<1x82x128xi32, #tpu.memory_space<hbm>>
      %dma_start3A_34 = tpu.memref_squeeze %dma_start3A_33 : memref<1x82x128xi32, #tpu.memory_space<hbm>> -> memref<82x128xi32, #tpu.memory_space<hbm>>
      tpu.enqueue_dma source(%dma_start3A_34 : memref<82x128xi32, #tpu.memory_space<hbm>>) target(%arg4 : memref<82x128xi32, #tpu.memory_space<vmem>>) target_semaphore(%run_scoped3A : memref<!tpu.dma_semaphore, #tpu.memory_space<semaphore_mem>>)
      %dma_wait3A = arith.constant 0 : i32
      %dma_wait3A_35 = arith.constant 0 : i32
      %dma_wait3A_36 = tpu.memref_slice %arg2[%add3A, %dma_wait3A, %dma_wait3A_35] : memref<32x82x128xi32, #tpu.memory_space<hbm>> -> memref<1x82x128xi32, #tpu.memory_space<hbm>>
      %dma_wait3A_37 = tpu.memref_squeeze %dma_wait3A_36 : memref<1x82x128xi32, #tpu.memory_space<hbm>> -> memref<82x128xi32, #tpu.memory_space<hbm>>
      %dma_wait3A_38 = arith.constant 0 : i32
      %dma_wait3A_39 = arith.constant 0 : i32
      %dma_wait3A_40 = tpu.memref_slice %arg2[%add3A, %dma_wait3A_38, %dma_wait3A_39] : memref<32x82x128xi32, #tpu.memory_space<hbm>> -> memref<1x82x128xi32, #tpu.memory_space<hbm>>
      %dma_wait3A_41 = tpu.memref_squeeze %dma_wait3A_40 : memref<1x82x128xi32, #tpu.memory_space<hbm>> -> memref<82x128xi32, #tpu.memory_space<hbm>>
      tpu.wait_dma2 semaphore(%run_scoped3A : memref<!tpu.dma_semaphore, #tpu.memory_space<semaphore_mem>>) src(%dma_wait3A_41 : memref<82x128xi32, #tpu.memory_space<hbm>>) dst(%arg4 : memref<82x128xi32, #tpu.memory_space<vmem>>)
      tpu.yield
    }) : () -> ()
    %scan3A = arith.constant 0 : i32
    %scan3A_1 = arith.constant 0 : i32
    %scan3A_2 = arith.constant 40 : i32
    %scan3A_3 = arith.addi %scan3A_1, %scan3A_2 : i32
    %scan3A_4 = arith.constant 1 : i32
    %scan3A_5 = scf.for %scan3A_28 = %scan3A_1 to %scan3A_3 step %scan3A_4 iter_args(%scan3A_29 = %scan3A) -> (i32)  : i32 {
      %broadcast_in_dim3A = arith.constant 0.000000e+00 : f32
      %broadcast_in_dim3A_30 = vector.broadcast %broadcast_in_dim3A : f32 to vector<16xf32>
      %mul3A_31 = arith.constant 16 : i32
      %mul3A_32 = arith.muli %scan3A_28, %mul3A_31 : i32
      %swap3A = arith.index_cast %mul3A_32 : i32 to index
      %swap3A_33 = tpu.vector_load %arg6[%swap3A] {strides = array<i32>} : memref<640xf32, #tpu.memory_space<vmem>>, vector<16xf32>,
      %swap3A_34 = vector.shape_cast %swap3A_33 : vector<16xf32> to vector<16xf32>
      %swap3A_35 = vector.shape_cast %broadcast_in_dim3A_30 : vector<16xf32> to vector<16xf32>
      tpu.vector_store %arg6[%swap3A], %swap3A_35 {strides = array<i32>} : memref<640xf32, #tpu.memory_space<vmem>>, vector<16xf32>,
      %scan3A_36 = arith.constant 0 : i32
      scf.yield %scan3A_36 : i32
    }
    %scan3A_6 = arith.constant 40 : i32
    %scan3A_7 = arith.constant 0 : i32
    %scan3A_8 = arith.constant 0 : i32
    %scan3A_9 = arith.constant 8 : i32
    %scan3A_10 = arith.addi %scan3A_8, %scan3A_9 : i32
    %scan3A_11 = arith.constant 1 : i32
    %scan3A_12 = scf.for %scan3A_28 = %scan3A_8 to %scan3A_10 step %scan3A_11 iter_args(%scan3A_29 = %scan3A_7) -> (i32)  : i32 {
      %broadcast_in_dim3A = arith.constant 1.000000e+00 : f32
      %broadcast_in_dim3A_30 = vector.broadcast %broadcast_in_dim3A : f32 to vector<16xf32>
      %mul3A_31 = arith.constant 16 : i32
      %mul3A_32 = arith.muli %scan3A_28, %mul3A_31 : i32
      %swap3A = arith.index_cast %mul3A_32 : i32 to index
      %swap3A_33 = tpu.vector_load %arg5[%swap3A] {strides = array<i32>} : memref<128xf32, #tpu.memory_space<vmem>>, vector<16xf32>,
      %swap3A_34 = vector.shape_cast %swap3A_33 : vector<16xf32> to vector<16xf32>
      %swap3A_35 = vector.shape_cast %broadcast_in_dim3A_30 : vector<16xf32> to vector<16xf32>
      tpu.vector_store %arg5[%swap3A], %swap3A_35 {strides = array<i32>} : memref<128xf32, #tpu.memory_space<vmem>>, vector<16xf32>,
      %scan3A_36 = arith.constant 0 : i32
      scf.yield %scan3A_36 : i32
    }
    %scan3A_13 = arith.constant 8 : i32
    %mul3A_14 = arith.constant 640 : i32
    %mul3A_15 = arith.muli %arg1, %mul3A_14 : i32
    "tpu.region"() ({
      %run_scoped3A = tpu.sem_alloc : memref<!tpu.dma_semaphore, #tpu.memory_space<semaphore_mem>>
      %dma_start3A = tpu.memref_slice %arg7[%mul3A_15] : memref<10240xf32, #tpu.memory_space<vmem_shared>> -> memref<640xf32, #tpu.memory_space<vmem_shared>>
      %dma_start3A_28 = tpu.memref_slice %arg7[%mul3A_15] : memref<10240xf32, #tpu.memory_space<vmem_shared>> -> memref<640xf32, #tpu.memory_space<vmem_shared>>
      tpu.enqueue_dma source(%arg6 : memref<640xf32, #tpu.memory_space<vmem>>) target(%dma_start3A_28 : memref<640xf32, #tpu.memory_space<vmem_shared>>) target_semaphore(%run_scoped3A : memref<!tpu.dma_semaphore, #tpu.memory_space<semaphore_mem>>)
      %dma_wait3A = tpu.memref_slice %arg7[%mul3A_15] : memref<10240xf32, #tpu.memory_space<vmem_shared>> -> memref<640xf32, #tpu.memory_space<vmem_shared>>
      %dma_wait3A_29 = tpu.memref_slice %arg7[%mul3A_15] : memref<10240xf32, #tpu.memory_space<vmem_shared>> -> memref<640xf32, #tpu.memory_space<vmem_shared>>
      tpu.wait_dma2 semaphore(%run_scoped3A : memref<!tpu.dma_semaphore, #tpu.memory_space<semaphore_mem>>) src(%arg6 : memref<640xf32, #tpu.memory_space<vmem>>) dst(%dma_wait3A_29 : memref<640xf32, #tpu.memory_space<vmem_shared>>)
      tpu.yield
    }) : () -> ()
    %barrier3A = arith.constant 0 : index
    tpu.barrier barrier_id(%barrier3A)
    %scan3A_16 = arith.constant 0 : i32
    %scan3A_17 = arith.constant 0 : i32
    %scan3A_18 = arith.constant 82 : i32
    %scan3A_19 = arith.addi %scan3A_17, %scan3A_18 : i32
    %scan3A_20 = arith.constant 1 : i32
    %scan3A_21 = scf.for %scan3A_28 = %scan3A_17 to %scan3A_19 step %scan3A_20 iter_args(%scan3A_29 = %scan3A_16) -> (i32)  : i32 {
      "tpu.region"() ({
        %run_scoped3A = tpu.sem_alloc : memref<!tpu.dma_semaphore, #tpu.memory_space<semaphore_mem>>
        %dma_start3A = arith.constant 0 : i32
        %dma_start3A_31 = tpu.memref_slice %arg4[%scan3A_28, %dma_start3A] : memref<82x128xi32, #tpu.memory_space<vmem>> -> memref<1x128xi32, #tpu.memory_space<vmem>>
        %dma_start3A_32 = tpu.memref_squeeze %dma_start3A_31 : memref<1x128xi32, #tpu.memory_space<vmem>> -> memref<128xi32, #tpu.memory_space<vmem>>
        %dma_start3A_33 = arith.constant 0 : i32
        %dma_start3A_34 = tpu.memref_slice %arg7[%dma_start3A_33] : memref<10240xf32, #tpu.memory_space<vmem_shared>> -> memref<10240xf32, #tpu.memory_space<vmem_shared>>
        tpu.enqueue_indirect_dma source(%arg5 : memref<128xf32, #tpu.memory_space<vmem>>) target(%dma_start3A_34 : memref<10240xf32, #tpu.memory_space<vmem_shared>>) offsets(%dma_start3A_32 : memref<128xi32, #tpu.memory_space<vmem>>) semaphore(%run_scoped3A : memref<!tpu.dma_semaphore, #tpu.memory_space<semaphore_mem>>) {add = true}
        %dma_wait3A = arith.constant 0 : i32
        %dma_wait3A_35 = tpu.memref_slice %arg4[%scan3A_28, %dma_wait3A] : memref<82x128xi32, #tpu.memory_space<vmem>> -> memref<1x128xi32, #tpu.memory_space<vmem>>
        %dma_wait3A_36 = tpu.memref_squeeze %dma_wait3A_35 : memref<1x128xi32, #tpu.memory_space<vmem>> -> memref<128xi32, #tpu.memory_space<vmem>>
        %dma_wait3A_37 = arith.constant 0 : i32
        %dma_wait3A_38 = tpu.memref_slice %arg7[%dma_wait3A_37] : memref<10240xf32, #tpu.memory_space<vmem_shared>> -> memref<10240xf32, #tpu.memory_space<vmem_shared>>
        tpu.wait_indirect_dma semaphore(%run_scoped3A : memref<!tpu.dma_semaphore, #tpu.memory_space<semaphore_mem>>) src(%arg5 : memref<128xf32, #tpu.memory_space<vmem>>) dst(%dma_wait3A_38 : memref<10240xf32, #tpu.memory_space<vmem_shared>>)
        tpu.yield
      }) : () -> ()
      %scan3A_30 = arith.constant 0 : i32
      scf.yield %scan3A_30 : i32
    }
    %scan3A_22 = arith.constant 82 : i32
    %barrier3A_23 = arith.constant 0 : index
    tpu.barrier barrier_id(%barrier3A_23)
    %mul3A_24 = arith.constant 640 : i32
    %mul3A_25 = arith.muli %arg1, %mul3A_24 : i32
    %mul3A_26 = arith.constant 640 : i32
    %mul3A_27 = arith.muli %arg1, %mul3A_26 : i32
    "tpu.region"() ({
      %run_scoped3A = tpu.sem_alloc : memref<!tpu.dma_semaphore, #tpu.memory_space<semaphore_mem>>
      %dma_start3A = tpu.memref_slice %arg3[%arg0, %mul3A_27] : memref<2x10240xf32, #tpu.memory_space<hbm>> -> memref<1x640xf32, #tpu.memory_space<hbm>>
      %dma_start3A_28 = tpu.memref_squeeze %dma_start3A : memref<1x640xf32, #tpu.memory_space<hbm>> -> memref<640xf32, #tpu.memory_space<hbm>>
      %dma_start3A_29 = tpu.memref_slice %arg7[%mul3A_25] : memref<10240xf32, #tpu.memory_space<vmem_shared>> -> memref<640xf32, #tpu.memory_space<vmem_shared>>
      tpu.enqueue_dma source(%dma_start3A_29 : memref<640xf32, #tpu.memory_space<vmem_shared>>) target(%dma_start3A_28 : memref<640xf32, #tpu.memory_space<hbm>>) target_semaphore(%run_scoped3A : memref<!tpu.dma_semaphore, #tpu.memory_space<semaphore_mem>>)
      %dma_wait3A = tpu.memref_slice %arg3[%arg0, %mul3A_27] : memref<2x10240xf32, #tpu.memory_space<hbm>> -> memref<1x640xf32, #tpu.memory_space<hbm>>
      %dma_wait3A_30 = tpu.memref_squeeze %dma_wait3A : memref<1x640xf32, #tpu.memory_space<hbm>> -> memref<640xf32, #tpu.memory_space<hbm>>
      %dma_wait3A_31 = tpu.memref_slice %arg7[%mul3A_25] : memref<10240xf32, #tpu.memory_space<vmem_shared>> -> memref<640xf32, #tpu.memory_space<vmem_shared>>
      tpu.wait_dma2 semaphore(%run_scoped3A : memref<!tpu.dma_semaphore, #tpu.memory_space<semaphore_mem>>) src(%dma_wait3A_31 : memref<640xf32, #tpu.memory_space<vmem_shared>>) dst(%dma_wait3A_30 : memref<640xf32, #tpu.memory_space<hbm>>)
      tpu.yield
    }) : () -> ()
    return
  }
}

#map = affine_map<(d0, d1) -> (0, 0, 0)>
#map1 = affine_map<(d0, d1) -> (0, 0)>
module attributes {stable_mosaic.version = 14 : i64} {
  func.func @_prop_body(%arg0: i32, %arg1: i32, %arg2: memref<32x82x128xi32, #tpu.memory_space<hbm>>, %arg3: memref<32x82x128xi32, #tpu.memory_space<hbm>>, %arg4: memref<10240x128xf32, #tpu.memory_space<hbm>>, %arg5: memref<2x10240x128xf32, #tpu.memory_space<hbm>>, %arg6: memref<82x128xi32, #tpu.memory_space<vmem>>, %arg7: memref<82x128xi32, #tpu.memory_space<vmem>>, %arg8: memref<128x128xf32, #tpu.memory_space<vmem>>, %arg9: memref<10240x128xf32, #tpu.memory_space<vmem_shared>>, %arg10: memref<!tpu.dma_semaphore, #tpu.memory_space<semaphore_mem>>) attributes {dimension_semantics = [#tpu.dimension_semantics<core_parallel>, #tpu.dimension_semantics<subcore_parallel>], iteration_bounds = array<i64: 2, 16>, scalar_prefetch = 0 : i64, scratch_operands = 5 : i64, tpu.core_type = #tpu.core_type<sc_vector_subcore>, window_params = [{transform_indices = #map}, {transform_indices = #map}, {transform_indices = #map1}, {transform_indices = #map}]} {
    %mul3A = arith.constant 16 : i32
    %mul3A_0 = arith.muli %arg0, %mul3A : i32
    %add3A = arith.addi %mul3A_0, %arg1 : i32
    "tpu.region"() ({
      %run_scoped3A = tpu.sem_alloc : memref<!tpu.dma_semaphore, #tpu.memory_space<semaphore_mem>>
      %dma_start3A = arith.constant 0 : i32
      %dma_start3A_29 = arith.constant 0 : i32
      %dma_start3A_30 = tpu.memref_slice %arg2[%add3A, %dma_start3A, %dma_start3A_29] : memref<32x82x128xi32, #tpu.memory_space<hbm>> -> memref<1x82x128xi32, #tpu.memory_space<hbm>>
      %dma_start3A_31 = tpu.memref_squeeze %dma_start3A_30 : memref<1x82x128xi32, #tpu.memory_space<hbm>> -> memref<82x128xi32, #tpu.memory_space<hbm>>
      %dma_start3A_32 = arith.constant 0 : i32
      %dma_start3A_33 = arith.constant 0 : i32
      %dma_start3A_34 = tpu.memref_slice %arg2[%add3A, %dma_start3A_32, %dma_start3A_33] : memref<32x82x128xi32, #tpu.memory_space<hbm>> -> memref<1x82x128xi32, #tpu.memory_space<hbm>>
      %dma_start3A_35 = tpu.memref_squeeze %dma_start3A_34 : memref<1x82x128xi32, #tpu.memory_space<hbm>> -> memref<82x128xi32, #tpu.memory_space<hbm>>
      tpu.enqueue_dma source(%dma_start3A_35 : memref<82x128xi32, #tpu.memory_space<hbm>>) target(%arg6 : memref<82x128xi32, #tpu.memory_space<vmem>>) target_semaphore(%run_scoped3A : memref<!tpu.dma_semaphore, #tpu.memory_space<semaphore_mem>>)
      %dma_wait3A = arith.constant 0 : i32
      %dma_wait3A_36 = arith.constant 0 : i32
      %dma_wait3A_37 = tpu.memref_slice %arg2[%add3A, %dma_wait3A, %dma_wait3A_36] : memref<32x82x128xi32, #tpu.memory_space<hbm>> -> memref<1x82x128xi32, #tpu.memory_space<hbm>>
      %dma_wait3A_38 = tpu.memref_squeeze %dma_wait3A_37 : memref<1x82x128xi32, #tpu.memory_space<hbm>> -> memref<82x128xi32, #tpu.memory_space<hbm>>
      %dma_wait3A_39 = arith.constant 0 : i32
      %dma_wait3A_40 = arith.constant 0 : i32
      %dma_wait3A_41 = tpu.memref_slice %arg2[%add3A, %dma_wait3A_39, %dma_wait3A_40] : memref<32x82x128xi32, #tpu.memory_space<hbm>> -> memref<1x82x128xi32, #tpu.memory_space<hbm>>
      %dma_wait3A_42 = tpu.memref_squeeze %dma_wait3A_41 : memref<1x82x128xi32, #tpu.memory_space<hbm>> -> memref<82x128xi32, #tpu.memory_space<hbm>>
      tpu.wait_dma2 semaphore(%run_scoped3A : memref<!tpu.dma_semaphore, #tpu.memory_space<semaphore_mem>>) src(%dma_wait3A_42 : memref<82x128xi32, #tpu.memory_space<hbm>>) dst(%arg6 : memref<82x128xi32, #tpu.memory_space<vmem>>)
      tpu.yield
    }) : () -> ()
    "tpu.region"() ({
      %run_scoped3A = tpu.sem_alloc : memref<!tpu.dma_semaphore, #tpu.memory_space<semaphore_mem>>
      %dma_start3A = arith.constant 0 : i32
      %dma_start3A_29 = arith.constant 0 : i32
      %dma_start3A_30 = tpu.memref_slice %arg3[%add3A, %dma_start3A, %dma_start3A_29] : memref<32x82x128xi32, #tpu.memory_space<hbm>> -> memref<1x82x128xi32, #tpu.memory_space<hbm>>
      %dma_start3A_31 = tpu.memref_squeeze %dma_start3A_30 : memref<1x82x128xi32, #tpu.memory_space<hbm>> -> memref<82x128xi32, #tpu.memory_space<hbm>>
      %dma_start3A_32 = arith.constant 0 : i32
      %dma_start3A_33 = arith.constant 0 : i32
      %dma_start3A_34 = tpu.memref_slice %arg3[%add3A, %dma_start3A_32, %dma_start3A_33] : memref<32x82x128xi32, #tpu.memory_space<hbm>> -> memref<1x82x128xi32, #tpu.memory_space<hbm>>
      %dma_start3A_35 = tpu.memref_squeeze %dma_start3A_34 : memref<1x82x128xi32, #tpu.memory_space<hbm>> -> memref<82x128xi32, #tpu.memory_space<hbm>>
      tpu.enqueue_dma source(%dma_start3A_35 : memref<82x128xi32, #tpu.memory_space<hbm>>) target(%arg7 : memref<82x128xi32, #tpu.memory_space<vmem>>) target_semaphore(%run_scoped3A : memref<!tpu.dma_semaphore, #tpu.memory_space<semaphore_mem>>)
      %dma_wait3A = arith.constant 0 : i32
      %dma_wait3A_36 = arith.constant 0 : i32
      %dma_wait3A_37 = tpu.memref_slice %arg3[%add3A, %dma_wait3A, %dma_wait3A_36] : memref<32x82x128xi32, #tpu.memory_space<hbm>> -> memref<1x82x128xi32, #tpu.memory_space<hbm>>
      %dma_wait3A_38 = tpu.memref_squeeze %dma_wait3A_37 : memref<1x82x128xi32, #tpu.memory_space<hbm>> -> memref<82x128xi32, #tpu.memory_space<hbm>>
      %dma_wait3A_39 = arith.constant 0 : i32
      %dma_wait3A_40 = arith.constant 0 : i32
      %dma_wait3A_41 = tpu.memref_slice %arg3[%add3A, %dma_wait3A_39, %dma_wait3A_40] : memref<32x82x128xi32, #tpu.memory_space<hbm>> -> memref<1x82x128xi32, #tpu.memory_space<hbm>>
      %dma_wait3A_42 = tpu.memref_squeeze %dma_wait3A_41 : memref<1x82x128xi32, #tpu.memory_space<hbm>> -> memref<82x128xi32, #tpu.memory_space<hbm>>
      tpu.wait_dma2 semaphore(%run_scoped3A : memref<!tpu.dma_semaphore, #tpu.memory_space<semaphore_mem>>) src(%dma_wait3A_42 : memref<82x128xi32, #tpu.memory_space<hbm>>) dst(%arg7 : memref<82x128xi32, #tpu.memory_space<vmem>>)
      tpu.yield
    }) : () -> ()
    %scan3A = arith.constant 0 : i32
    %scan3A_1 = arith.constant 0 : i32
    %scan3A_2 = arith.constant 128 : i32
    %scan3A_3 = arith.addi %scan3A_1, %scan3A_2 : i32
    %scan3A_4 = arith.constant 1 : i32
    %scan3A_5 = scf.for %scan3A_29 = %scan3A_1 to %scan3A_3 step %scan3A_4 iter_args(%scan3A_30 = %scan3A) -> (i32)  : i32 {
      %broadcast_in_dim3A = arith.constant 0.000000e+00 : f32
      %broadcast_in_dim3A_31 = vector.broadcast %broadcast_in_dim3A : f32 to vector<16xf32>
      %swap3A = arith.index_cast %scan3A_29 : i32 to index
      %swap3A_32 = arith.constant 0 : index
      %swap3A_33 = tpu.vector_load %arg8[%swap3A, %swap3A_32] {strides = array<i32>} : memref<128x128xf32, #tpu.memory_space<vmem>>, vector<1x16xf32>,
      %swap3A_34 = vector.shape_cast %swap3A_33 : vector<1x16xf32> to vector<16xf32>
      %swap3A_35 = vector.shape_cast %broadcast_in_dim3A_31 : vector<16xf32> to vector<1x16xf32>
      tpu.vector_store %arg8[%swap3A, %swap3A_32], %swap3A_35 {strides = array<i32>} : memref<128x128xf32, #tpu.memory_space<vmem>>, vector<1x16xf32>,
      %broadcast_in_dim3A_36 = arith.constant 0.000000e+00 : f32
      %broadcast_in_dim3A_37 = vector.broadcast %broadcast_in_dim3A_36 : f32 to vector<16xf32>
      %swap3A_38 = arith.index_cast %scan3A_29 : i32 to index
      %swap3A_39 = arith.constant 16 : index
      %swap3A_40 = tpu.vector_load %arg8[%swap3A_38, %swap3A_39] {strides = array<i32>} : memref<128x128xf32, #tpu.memory_space<vmem>>, vector<1x16xf32>,
      %swap3A_41 = vector.shape_cast %swap3A_40 : vector<1x16xf32> to vector<16xf32>
      %swap3A_42 = vector.shape_cast %broadcast_in_dim3A_37 : vector<16xf32> to vector<1x16xf32>
      tpu.vector_store %arg8[%swap3A_38, %swap3A_39], %swap3A_42 {strides = array<i32>} : memref<128x128xf32, #tpu.memory_space<vmem>>, vector<1x16xf32>,
      %broadcast_in_dim3A_43 = arith.constant 0.000000e+00 : f32
      %broadcast_in_dim3A_44 = vector.broadcast %broadcast_in_dim3A_43 : f32 to vector<16xf32>
      %swap3A_45 = arith.index_cast %scan3A_29 : i32 to index
      %swap3A_46 = arith.constant 32 : index
      %swap3A_47 = tpu.vector_load %arg8[%swap3A_45, %swap3A_46] {strides = array<i32>} : memref<128x128xf32, #tpu.memory_space<vmem>>, vector<1x16xf32>,
      %swap3A_48 = vector.shape_cast %swap3A_47 : vector<1x16xf32> to vector<16xf32>
      %swap3A_49 = vector.shape_cast %broadcast_in_dim3A_44 : vector<16xf32> to vector<1x16xf32>
      tpu.vector_store %arg8[%swap3A_45, %swap3A_46], %swap3A_49 {strides = array<i32>} : memref<128x128xf32, #tpu.memory_space<vmem>>, vector<1x16xf32>,
      %broadcast_in_dim3A_50 = arith.constant 0.000000e+00 : f32
      %broadcast_in_dim3A_51 = vector.broadcast %broadcast_in_dim3A_50 : f32 to vector<16xf32>
      %swap3A_52 = arith.index_cast %scan3A_29 : i32 to index
      %swap3A_53 = arith.constant 48 : index
      %swap3A_54 = tpu.vector_load %arg8[%swap3A_52, %swap3A_53] {strides = array<i32>} : memref<128x128xf32, #tpu.memory_space<vmem>>, vector<1x16xf32>,
      %swap3A_55 = vector.shape_cast %swap3A_54 : vector<1x16xf32> to vector<16xf32>
      %swap3A_56 = vector.shape_cast %broadcast_in_dim3A_51 : vector<16xf32> to vector<1x16xf32>
      tpu.vector_store %arg8[%swap3A_52, %swap3A_53], %swap3A_56 {strides = array<i32>} : memref<128x128xf32, #tpu.memory_space<vmem>>, vector<1x16xf32>,
      %broadcast_in_dim3A_57 = arith.constant 0.000000e+00 : f32
      %broadcast_in_dim3A_58 = vector.broadcast %broadcast_in_dim3A_57 : f32 to vector<16xf32>
      %swap3A_59 = arith.index_cast %scan3A_29 : i32 to index
      %swap3A_60 = arith.constant 64 : index
      %swap3A_61 = tpu.vector_load %arg8[%swap3A_59, %swap3A_60] {strides = array<i32>} : memref<128x128xf32, #tpu.memory_space<vmem>>, vector<1x16xf32>,
      %swap3A_62 = vector.shape_cast %swap3A_61 : vector<1x16xf32> to vector<16xf32>
      %swap3A_63 = vector.shape_cast %broadcast_in_dim3A_58 : vector<16xf32> to vector<1x16xf32>
      tpu.vector_store %arg8[%swap3A_59, %swap3A_60], %swap3A_63 {strides = array<i32>} : memref<128x128xf32, #tpu.memory_space<vmem>>, vector<1x16xf32>,
      %broadcast_in_dim3A_64 = arith.constant 0.000000e+00 : f32
      %broadcast_in_dim3A_65 = vector.broadcast %broadcast_in_dim3A_64 : f32 to vector<16xf32>
      %swap3A_66 = arith.index_cast %scan3A_29 : i32 to index
      %swap3A_67 = arith.constant 80 : index
      %swap3A_68 = tpu.vector_load %arg8[%swap3A_66, %swap3A_67] {strides = array<i32>} : memref<128x128xf32, #tpu.memory_space<vmem>>, vector<1x16xf32>,
      %swap3A_69 = vector.shape_cast %swap3A_68 : vector<1x16xf32> to vector<16xf32>
      %swap3A_70 = vector.shape_cast %broadcast_in_dim3A_65 : vector<16xf32> to vector<1x16xf32>
      tpu.vector_store %arg8[%swap3A_66, %swap3A_67], %swap3A_70 {strides = array<i32>} : memref<128x128xf32, #tpu.memory_space<vmem>>, vector<1x16xf32>,
      %broadcast_in_dim3A_71 = arith.constant 0.000000e+00 : f32
      %broadcast_in_dim3A_72 = vector.broadcast %broadcast_in_dim3A_71 : f32 to vector<16xf32>
      %swap3A_73 = arith.index_cast %scan3A_29 : i32 to index
      %swap3A_74 = arith.constant 96 : index
      %swap3A_75 = tpu.vector_load %arg8[%swap3A_73, %swap3A_74] {strides = array<i32>} : memref<128x128xf32, #tpu.memory_space<vmem>>, vector<1x16xf32>,
      %swap3A_76 = vector.shape_cast %swap3A_75 : vector<1x16xf32> to vector<16xf32>
      %swap3A_77 = vector.shape_cast %broadcast_in_dim3A_72 : vector<16xf32> to vector<1x16xf32>
      tpu.vector_store %arg8[%swap3A_73, %swap3A_74], %swap3A_77 {strides = array<i32>} : memref<128x128xf32, #tpu.memory_space<vmem>>, vector<1x16xf32>,
      %broadcast_in_dim3A_78 = arith.constant 0.000000e+00 : f32
      %broadcast_in_dim3A_79 = vector.broadcast %broadcast_in_dim3A_78 : f32 to vector<16xf32>
      %swap3A_80 = arith.index_cast %scan3A_29 : i32 to index
      %swap3A_81 = arith.constant 112 : index
      %swap3A_82 = tpu.vector_load %arg8[%swap3A_80, %swap3A_81] {strides = array<i32>} : memref<128x128xf32, #tpu.memory_space<vmem>>, vector<1x16xf32>,
      %swap3A_83 = vector.shape_cast %swap3A_82 : vector<1x16xf32> to vector<16xf32>
      %swap3A_84 = vector.shape_cast %broadcast_in_dim3A_79 : vector<16xf32> to vector<1x16xf32>
      tpu.vector_store %arg8[%swap3A_80, %swap3A_81], %swap3A_84 {strides = array<i32>} : memref<128x128xf32, #tpu.memory_space<vmem>>, vector<1x16xf32>,
      %scan3A_85 = arith.constant 0 : i32
      scf.yield %scan3A_85 : i32
    }
    %scan3A_6 = arith.constant 128 : i32
    %scan3A_7 = arith.constant 0 : i32
    %scan3A_8 = arith.constant 0 : i32
    %scan3A_9 = arith.constant 5 : i32
    %scan3A_10 = arith.addi %scan3A_8, %scan3A_9 : i32
    %scan3A_11 = arith.constant 1 : i32
    %scan3A_12 = scf.for %scan3A_29 = %scan3A_8 to %scan3A_10 step %scan3A_11 iter_args(%scan3A_30 = %scan3A_7) -> (i32)  : i32 {
      %mul3A_31 = arith.constant 640 : i32
      %mul3A_32 = arith.muli %arg1, %mul3A_31 : i32
      %mul3A_33 = arith.constant 128 : i32
      %mul3A_34 = arith.muli %scan3A_29, %mul3A_33 : i32
      %add3A_35 = arith.addi %mul3A_32, %mul3A_34 : i32
      "tpu.region"() ({
        %run_scoped3A = tpu.sem_alloc : memref<!tpu.dma_semaphore, #tpu.memory_space<semaphore_mem>>
        %dma_start3A = arith.constant 0 : i32
        %dma_start3A_37 = tpu.memref_slice %arg9[%add3A_35, %dma_start3A] : memref<10240x128xf32, #tpu.memory_space<vmem_shared>> -> memref<128x128xf32, #tpu.memory_space<vmem_shared>>
        %dma_start3A_38 = arith.constant 0 : i32
        %dma_start3A_39 = tpu.memref_slice %arg9[%add3A_35, %dma_start3A_38] : memref<10240x128xf32, #tpu.memory_space<vmem_shared>> -> memref<128x128xf32, #tpu.memory_space<vmem_shared>>
        tpu.enqueue_dma source(%arg8 : memref<128x128xf32, #tpu.memory_space<vmem>>) target(%dma_start3A_39 : memref<128x128xf32, #tpu.memory_space<vmem_shared>>) target_semaphore(%run_scoped3A : memref<!tpu.dma_semaphore, #tpu.memory_space<semaphore_mem>>)
        %dma_wait3A = arith.constant 0 : i32
        %dma_wait3A_40 = tpu.memref_slice %arg9[%add3A_35, %dma_wait3A] : memref<10240x128xf32, #tpu.memory_space<vmem_shared>> -> memref<128x128xf32, #tpu.memory_space<vmem_shared>>
        %dma_wait3A_41 = arith.constant 0 : i32
        %dma_wait3A_42 = tpu.memref_slice %arg9[%add3A_35, %dma_wait3A_41] : memref<10240x128xf32, #tpu.memory_space<vmem_shared>> -> memref<128x128xf32, #tpu.memory_space<vmem_shared>>
        tpu.wait_dma2 semaphore(%run_scoped3A : memref<!tpu.dma_semaphore, #tpu.memory_space<semaphore_mem>>) src(%arg8 : memref<128x128xf32, #tpu.memory_space<vmem>>) dst(%dma_wait3A_42 : memref<128x128xf32, #tpu.memory_space<vmem_shared>>)
        tpu.yield
      }) : () -> ()
      %scan3A_36 = arith.constant 0 : i32
      scf.yield %scan3A_36 : i32
    }
    %scan3A_13 = arith.constant 5 : i32
    %barrier3A = arith.constant 0 : index
    tpu.barrier barrier_id(%barrier3A)
    %scan3A_14 = arith.constant 0 : i32
    %scan3A_15 = arith.constant 0 : i32
    %scan3A_16 = arith.constant 82 : i32
    %scan3A_17 = arith.addi %scan3A_15, %scan3A_16 : i32
    %scan3A_18 = arith.constant 1 : i32
    %scan3A_19 = scf.for %scan3A_29 = %scan3A_15 to %scan3A_17 step %scan3A_18 iter_args(%scan3A_30 = %scan3A_14) -> (i32)  : i32 {
      %dma_start3A = arith.constant 0 : i32
      %dma_start3A_31 = tpu.memref_slice %arg6[%scan3A_29, %dma_start3A] : memref<82x128xi32, #tpu.memory_space<vmem>> -> memref<1x128xi32, #tpu.memory_space<vmem>>
      %dma_start3A_32 = tpu.memref_squeeze %dma_start3A_31 : memref<1x128xi32, #tpu.memory_space<vmem>> -> memref<128xi32, #tpu.memory_space<vmem>>
      %dma_start3A_33 = arith.constant 0 : i32
      %dma_start3A_34 = arith.constant 0 : i32
      %dma_start3A_35 = tpu.memref_slice %arg4[%dma_start3A_33, %dma_start3A_34] : memref<10240x128xf32, #tpu.memory_space<hbm>> -> memref<10240x128xf32, #tpu.memory_space<hbm>>
      tpu.enqueue_indirect_dma source(%dma_start3A_35 : memref<10240x128xf32, #tpu.memory_space<hbm>>) target(%arg8 : memref<128x128xf32, #tpu.memory_space<vmem>>) offsets(%dma_start3A_32 : memref<128xi32, #tpu.memory_space<vmem>>) semaphore(%arg10 : memref<!tpu.dma_semaphore, #tpu.memory_space<semaphore_mem>>)
      %dma_wait3A = arith.constant 0 : i32
      %dma_wait3A_36 = tpu.memref_slice %arg6[%scan3A_29, %dma_wait3A] : memref<82x128xi32, #tpu.memory_space<vmem>> -> memref<1x128xi32, #tpu.memory_space<vmem>>
      %dma_wait3A_37 = tpu.memref_squeeze %dma_wait3A_36 : memref<1x128xi32, #tpu.memory_space<vmem>> -> memref<128xi32, #tpu.memory_space<vmem>>
      %dma_wait3A_38 = arith.constant 0 : i32
      %dma_wait3A_39 = arith.constant 0 : i32
      %dma_wait3A_40 = tpu.memref_slice %arg4[%dma_wait3A_38, %dma_wait3A_39] : memref<10240x128xf32, #tpu.memory_space<hbm>> -> memref<10240x128xf32, #tpu.memory_space<hbm>>
      tpu.wait_indirect_dma semaphore(%arg10 : memref<!tpu.dma_semaphore, #tpu.memory_space<semaphore_mem>>) src(%dma_wait3A_40 : memref<10240x128xf32, #tpu.memory_space<hbm>>) dst(%arg8 : memref<128x128xf32, #tpu.memory_space<vmem>>)
      "tpu.region"() ({
        %run_scoped3A = tpu.sem_alloc : memref<!tpu.dma_semaphore, #tpu.memory_space<semaphore_mem>>
        %dma_start3A_42 = arith.constant 0 : i32
        %dma_start3A_43 = tpu.memref_slice %arg7[%scan3A_29, %dma_start3A_42] : memref<82x128xi32, #tpu.memory_space<vmem>> -> memref<1x128xi32, #tpu.memory_space<vmem>>
        %dma_start3A_44 = tpu.memref_squeeze %dma_start3A_43 : memref<1x128xi32, #tpu.memory_space<vmem>> -> memref<128xi32, #tpu.memory_space<vmem>>
        %dma_start3A_45 = arith.constant 0 : i32
        %dma_start3A_46 = arith.constant 0 : i32
        %dma_start3A_47 = tpu.memref_slice %arg9[%dma_start3A_45, %dma_start3A_46] : memref<10240x128xf32, #tpu.memory_space<vmem_shared>> -> memref<10240x128xf32, #tpu.memory_space<vmem_shared>>
        tpu.enqueue_indirect_dma source(%arg8 : memref<128x128xf32, #tpu.memory_space<vmem>>) target(%dma_start3A_47 : memref<10240x128xf32, #tpu.memory_space<vmem_shared>>) offsets(%dma_start3A_44 : memref<128xi32, #tpu.memory_space<vmem>>) semaphore(%run_scoped3A : memref<!tpu.dma_semaphore, #tpu.memory_space<semaphore_mem>>) {add = true}
        %dma_wait3A_48 = arith.constant 0 : i32
        %dma_wait3A_49 = tpu.memref_slice %arg7[%scan3A_29, %dma_wait3A_48] : memref<82x128xi32, #tpu.memory_space<vmem>> -> memref<1x128xi32, #tpu.memory_space<vmem>>
        %dma_wait3A_50 = tpu.memref_squeeze %dma_wait3A_49 : memref<1x128xi32, #tpu.memory_space<vmem>> -> memref<128xi32, #tpu.memory_space<vmem>>
        %dma_wait3A_51 = arith.constant 0 : i32
        %dma_wait3A_52 = arith.constant 0 : i32
        %dma_wait3A_53 = tpu.memref_slice %arg9[%dma_wait3A_51, %dma_wait3A_52] : memref<10240x128xf32, #tpu.memory_space<vmem_shared>> -> memref<10240x128xf32, #tpu.memory_space<vmem_shared>>
        tpu.wait_indirect_dma semaphore(%run_scoped3A : memref<!tpu.dma_semaphore, #tpu.memory_space<semaphore_mem>>) src(%arg8 : memref<128x128xf32, #tpu.memory_space<vmem>>) dst(%dma_wait3A_53 : memref<10240x128xf32, #tpu.memory_space<vmem_shared>>)
        tpu.yield
      }) : () -> ()
      %scan3A_41 = arith.constant 0 : i32
      scf.yield %scan3A_41 : i32
    }
    %scan3A_20 = arith.constant 82 : i32
    %barrier3A_21 = arith.constant 0 : index
    tpu.barrier barrier_id(%barrier3A_21)
    %scan3A_22 = arith.constant 0 : i32
    %scan3A_23 = arith.constant 0 : i32
    %scan3A_24 = arith.constant 5 : i32
    %scan3A_25 = arith.addi %scan3A_23, %scan3A_24 : i32
    %scan3A_26 = arith.constant 1 : i32
    %scan3A_27 = scf.for %scan3A_29 = %scan3A_23 to %scan3A_25 step %scan3A_26 iter_args(%scan3A_30 = %scan3A_22) -> (i32)  : i32 {
      %mul3A_31 = arith.constant 640 : i32
      %mul3A_32 = arith.muli %arg1, %mul3A_31 : i32
      %mul3A_33 = arith.constant 128 : i32
      %mul3A_34 = arith.muli %scan3A_29, %mul3A_33 : i32
      %add3A_35 = arith.addi %mul3A_32, %mul3A_34 : i32
      "tpu.region"() ({
        %run_scoped3A = tpu.sem_alloc : memref<!tpu.dma_semaphore, #tpu.memory_space<semaphore_mem>>
        %dma_start3A = arith.constant 0 : i32
        %dma_start3A_37 = tpu.memref_slice %arg5[%arg0, %add3A_35, %dma_start3A] : memref<2x10240x128xf32, #tpu.memory_space<hbm>> -> memref<1x128x128xf32, #tpu.memory_space<hbm>>
        %dma_start3A_38 = tpu.memref_squeeze %dma_start3A_37 : memref<1x128x128xf32, #tpu.memory_space<hbm>> -> memref<128x128xf32, #tpu.memory_space<hbm>>
        %dma_start3A_39 = arith.constant 0 : i32
        %dma_start3A_40 = tpu.memref_slice %arg9[%add3A_35, %dma_start3A_39] : memref<10240x128xf32, #tpu.memory_space<vmem_shared>> -> memref<128x128xf32, #tpu.memory_space<vmem_shared>>
        tpu.enqueue_dma source(%dma_start3A_40 : memref<128x128xf32, #tpu.memory_space<vmem_shared>>) target(%dma_start3A_38 : memref<128x128xf32, #tpu.memory_space<hbm>>) target_semaphore(%run_scoped3A : memref<!tpu.dma_semaphore, #tpu.memory_space<semaphore_mem>>)
        %dma_wait3A = arith.constant 0 : i32
        %dma_wait3A_41 = tpu.memref_slice %arg5[%arg0, %add3A_35, %dma_wait3A] : memref<2x10240x128xf32, #tpu.memory_space<hbm>> -> memref<1x128x128xf32, #tpu.memory_space<hbm>>
        %dma_wait3A_42 = tpu.memref_squeeze %dma_wait3A_41 : memref<1x128x128xf32, #tpu.memory_space<hbm>> -> memref<128x128xf32, #tpu.memory_space<hbm>>
        %dma_wait3A_43 = arith.constant 0 : i32
        %dma_wait3A_44 = tpu.memref_slice %arg9[%add3A_35, %dma_wait3A_43] : memref<10240x128xf32, #tpu.memory_space<vmem_shared>> -> memref<128x128xf32, #tpu.memory_space<vmem_shared>>
        tpu.wait_dma2 semaphore(%run_scoped3A : memref<!tpu.dma_semaphore, #tpu.memory_space<semaphore_mem>>) src(%dma_wait3A_44 : memref<128x128xf32, #tpu.memory_space<vmem_shared>>) dst(%dma_wait3A_42 : memref<128x128xf32, #tpu.memory_space<hbm>>)
        tpu.yield
      }) : () -> ()
      %scan3A_36 = arith.constant 0 : i32
      scf.yield %scan3A_36 : i32
    }
    %scan3A_28 = arith.constant 5 : i32
    return
  }
}

module attributes {stable_mosaic.version = 14 : i64} {
  func.func @_pre_body(%arg0: i32, %arg1: memref<2x2048x1xf32, #tpu.memory_space<vmem>>, %arg2: memref<2048x128xf32, #tpu.memory_space<vmem>>, %arg3: memref<2048x1xf32, #tpu.memory_space<vmem>>, %arg4: memref<2048x128xf32, #tpu.memory_space<vmem>>) attributes {dimension_semantics = [#tpu.dimension_semantics<arbitrary>], iteration_bounds = array<i64: 5>, scalar_prefetch = 0 : i64, scratch_operands = 0 : i64, tpu.core_type = #tpu.core_type<tc>, window_params = [{transform_indices = @transform_0, window_bounds = array<i64: 2, 2048, 1>}, {transform_indices = @transform_1, window_bounds = array<i64: 2048, 128>}, {transform_indices = @transform_2, window_bounds = array<i64: 2048, 1>}, {transform_indices = @transform_3, window_bounds = array<i64: 2048, 128>}]} {
    %get3A = arith.constant 0 : index
    %get3A_0 = arith.constant 0 : index
    %get3A_1 = arith.constant 0 : index
    %get3A_2 = vector.load %arg1[%get3A, %get3A_0, %get3A_1] : memref<2x2048x1xf32, #tpu.memory_space<vmem>>, vector<1x2048x1xf32>
    %get3A_3 = vector.shape_cast %get3A_2 : vector<1x2048x1xf32> to vector<2048x1xf32>
    %get3A_4 = arith.constant 1 : index
    %get3A_5 = arith.constant 0 : index
    %get3A_6 = arith.constant 0 : index
    %get3A_7 = vector.load %arg1[%get3A_4, %get3A_5, %get3A_6] : memref<2x2048x1xf32, #tpu.memory_space<vmem>>, vector<1x2048x1xf32>
    %get3A_8 = vector.shape_cast %get3A_7 : vector<1x2048x1xf32> to vector<2048x1xf32>
    %add3A = arith.addf %get3A_3, %get3A_8 : vector<2048x1xf32>
    %max3A = arith.constant 1.000000e+00 : f32
    %max3A_9 = vector.broadcast %max3A : f32 to vector<2048x1xf32>
    %max3A_10 = arith.maximumf %add3A, %max3A_9 : vector<2048x1xf32>
    %rsqrt3A = math.rsqrt %max3A_10 : vector<2048x1xf32>
    %swap3A = arith.constant 0 : index
    %swap3A_11 = arith.constant 0 : index
    %swap3A_12 = vector.load %arg3[%swap3A, %swap3A_11] : memref<2048x1xf32, #tpu.memory_space<vmem>>, vector<2048x1xf32>
    tpu.vector_store %arg3[%swap3A, %swap3A_11], %rsqrt3A {strides = array<i32>} : memref<2048x1xf32, #tpu.memory_space<vmem>>, vector<2048x1xf32>,
    %get3A_13 = arith.constant 0 : index
    %get3A_14 = arith.constant 0 : index
    %get3A_15 = vector.load %arg2[%get3A_13, %get3A_14] : memref<2048x128xf32, #tpu.memory_space<vmem>>, vector<2048x128xf32>
    %mul3A = vector.broadcast %rsqrt3A : vector<2048x1xf32> to vector<2048x128xf32>
    %mul3A_16 = arith.mulf %get3A_15, %mul3A : vector<2048x128xf32>
    %swap3A_17 = arith.constant 0 : index
    %swap3A_18 = arith.constant 0 : index
    %swap3A_19 = vector.load %arg4[%swap3A_17, %swap3A_18] : memref<2048x128xf32, #tpu.memory_space<vmem>>, vector<2048x128xf32>
    tpu.vector_store %arg4[%swap3A_17, %swap3A_18], %mul3A_16 {strides = array<i32>} : memref<2048x128xf32, #tpu.memory_space<vmem>>, vector<2048x128xf32>,
    return
  }
  func.func @transform_0(%arg0: i32) -> (i32, i32, i32) {
    %c0_i32 = arith.constant 0 : i32
    %c0_i32_0 = arith.constant 0 : i32
    %c0_i32_1 = arith.constant 0 : i32
    return %c0_i32, %arg0, %c0_i32_0 : i32, i32, i32
  }
  func.func @transform_1(%arg0: i32) -> (i32, i32) {
    %c0_i32 = arith.constant 0 : i32
    %c0_i32_0 = arith.constant 0 : i32
    return %arg0, %c0_i32 : i32, i32
  }
  func.func @transform_2(%arg0: i32) -> (i32, i32) {
    %c0_i32 = arith.constant 0 : i32
    %c0_i32_0 = arith.constant 0 : i32
    return %arg0, %c0_i32 : i32, i32
  }
  func.func @transform_3(%arg0: i32) -> (i32, i32) {
    %c0_i32 = arith.constant 0 : i32
    %c0_i32_0 = arith.constant 0 : i32
    return %arg0, %c0_i32 : i32, i32
  }
}

module attributes {stable_mosaic.version = 14 : i64} {
  func.func @_mid_body(%arg0: i32, %arg1: memref<2x2048x128xf32, #tpu.memory_space<vmem>>, %arg2: memref<2048x1xf32, #tpu.memory_space<vmem>>, %arg3: memref<128x256xf32, #tpu.memory_space<vmem>>, %arg4: memref<256x256xf32, #tpu.memory_space<vmem>>, %arg5: memref<2x2048x128xf32, #tpu.memory_space<vmem>>) attributes {dimension_semantics = [#tpu.dimension_semantics<arbitrary>], iteration_bounds = array<i64: 5>, scalar_prefetch = 0 : i64, scratch_operands = 0 : i64, tpu.core_type = #tpu.core_type<tc>, window_params = [{transform_indices = @transform_0, window_bounds = array<i64: 2, 2048, 128>}, {transform_indices = @transform_1, window_bounds = array<i64: 2048, 1>}, {pipeline_mode = #tpu.pipeline_mode<synchronous>, transform_indices = @transform_2, window_bounds = array<i64: 128, 256>}, {pipeline_mode = #tpu.pipeline_mode<synchronous>, transform_indices = @transform_3, window_bounds = array<i64: 256, 256>}, {transform_indices = @transform_4, window_bounds = array<i64: 2, 2048, 128>}]} {
    %get3A = arith.constant 0 : index
    %get3A_0 = arith.constant 0 : index
    %get3A_1 = vector.load %arg2[%get3A, %get3A_0] : memref<2048x1xf32, #tpu.memory_space<vmem>>, vector<2048x1xf32>
    %get3A_2 = arith.constant 0 : index
    %get3A_3 = arith.constant 0 : index
    %get3A_4 = arith.constant 0 : index
    %get3A_5 = vector.load %arg1[%get3A_2, %get3A_3, %get3A_4] : memref<2x2048x128xf32, #tpu.memory_space<vmem>>, vector<1x2048x128xf32>
    %get3A_6 = vector.shape_cast %get3A_5 : vector<1x2048x128xf32> to vector<2048x128xf32>
    %get3A_7 = arith.constant 1 : index
    %get3A_8 = arith.constant 0 : index
    %get3A_9 = arith.constant 0 : index
    %get3A_10 = vector.load %arg1[%get3A_7, %get3A_8, %get3A_9] : memref<2x2048x128xf32, #tpu.memory_space<vmem>>, vector<1x2048x128xf32>
    %get3A_11 = vector.shape_cast %get3A_10 : vector<1x2048x128xf32> to vector<2048x128xf32>
    %add3A = arith.addf %get3A_6, %get3A_11 : vector<2048x128xf32>
    %mul3A = vector.broadcast %get3A_1 : vector<2048x1xf32> to vector<2048x128xf32>
    %mul3A_12 = arith.mulf %add3A, %mul3A : vector<2048x128xf32>
    %get3A_13 = arith.constant 0 : index
    %get3A_14 = arith.constant 0 : index
    %get3A_15 = vector.load %arg3[%get3A_13, %get3A_14] : memref<128x256xf32, #tpu.memory_space<vmem>>, vector<128x256xf32>
    %dot_general3A = arith.constant dense<0.000000e+00> : vector<2048x256xf32>
    %dot_general3A_16 = tpu.matmul %mul3A_12, %get3A_15, %dot_general3A {dimension_numbers = #tpu.dot_dimension_numbers<[1], [0], [0], [1], [0, 0, 1, 1], [], []>, transpose_lhs_hint = false} : vector<2048x128xf32>, vector<128x256xf32>, vector<2048x256xf32> -> vector<2048x256xf32>
    %max3A = arith.constant 0.000000e+00 : f32
    %max3A_17 = vector.broadcast %max3A : f32 to vector<2048x256xf32>
    %max3A_18 = arith.maximumf %dot_general3A_16, %max3A_17 : vector<2048x256xf32>
    %get3A_19 = arith.constant 0 : index
    %get3A_20 = arith.constant 0 : index
    %get3A_21 = vector.load %arg4[%get3A_19, %get3A_20] : memref<256x256xf32, #tpu.memory_space<vmem>>, vector<256x256xf32>
    %dot_general3A_22 = arith.constant dense<0.000000e+00> : vector<2048x256xf32>
    %dot_general3A_23 = tpu.matmul %max3A_18, %get3A_21, %dot_general3A_22 {dimension_numbers = #tpu.dot_dimension_numbers<[1], [0], [0], [1], [0, 0, 1, 1], [], []>, transpose_lhs_hint = false} : vector<2048x256xf32>, vector<256x256xf32>, vector<2048x256xf32> -> vector<2048x256xf32>
    %mul3A_24 = vector.broadcast %get3A_1 : vector<2048x1xf32> to vector<2048x256xf32>
    %mul3A_25 = arith.mulf %dot_general3A_23, %mul3A_24 : vector<2048x256xf32>
    %slice3A = vector.extract_strided_slice %mul3A_25 {offsets = [0, 0], sizes = [2048, 128], strides = [1, 1]} : vector<2048x256xf32> to vector<2048x128xf32>
    %swap3A = arith.constant 0 : index
    %swap3A_26 = arith.constant 0 : index
    %swap3A_27 = arith.constant 0 : index
    %swap3A_28 = vector.load %arg5[%swap3A, %swap3A_26, %swap3A_27] : memref<2x2048x128xf32, #tpu.memory_space<vmem>>, vector<1x2048x128xf32>
    %swap3A_29 = vector.shape_cast %swap3A_28 : vector<1x2048x128xf32> to vector<2048x128xf32>
    %swap3A_30 = vector.shape_cast %slice3A : vector<2048x128xf32> to vector<1x2048x128xf32>
    tpu.vector_store %arg5[%swap3A, %swap3A_26, %swap3A_27], %swap3A_30 {strides = array<i32>} : memref<2x2048x128xf32, #tpu.memory_space<vmem>>, vector<1x2048x128xf32>,
    %slice3A_31 = vector.extract_strided_slice %mul3A_25 {offsets = [0, 128], sizes = [2048, 128], strides = [1, 1]} : vector<2048x256xf32> to vector<2048x128xf32>
    %swap3A_32 = arith.constant 1 : index
    %swap3A_33 = arith.constant 0 : index
    %swap3A_34 = arith.constant 0 : index
    %swap3A_35 = vector.load %arg5[%swap3A_32, %swap3A_33, %swap3A_34] : memref<2x2048x128xf32, #tpu.memory_space<vmem>>, vector<1x2048x128xf32>
    %swap3A_36 = vector.shape_cast %swap3A_35 : vector<1x2048x128xf32> to vector<2048x128xf32>
    %swap3A_37 = vector.shape_cast %slice3A_31 : vector<2048x128xf32> to vector<1x2048x128xf32>
    tpu.vector_store %arg5[%swap3A_32, %swap3A_33, %swap3A_34], %swap3A_37 {strides = array<i32>} : memref<2x2048x128xf32, #tpu.memory_space<vmem>>, vector<1x2048x128xf32>,
    return
  }
  func.func @transform_0(%arg0: i32) -> (i32, i32, i32) {
    %c0_i32 = arith.constant 0 : i32
    %c0_i32_0 = arith.constant 0 : i32
    %c0_i32_1 = arith.constant 0 : i32
    return %c0_i32, %arg0, %c0_i32_0 : i32, i32, i32
  }
  func.func @transform_1(%arg0: i32) -> (i32, i32) {
    %c0_i32 = arith.constant 0 : i32
    %c0_i32_0 = arith.constant 0 : i32
    return %arg0, %c0_i32 : i32, i32
  }
  func.func @transform_2(%arg0: i32) -> (i32, i32) {
    %c0_i32 = arith.constant 0 : i32
    %c0_i32_0 = arith.constant 0 : i32
    %c0_i32_1 = arith.constant 0 : i32
    return %c0_i32, %c0_i32_0 : i32, i32
  }
  func.func @transform_3(%arg0: i32) -> (i32, i32) {
    %c0_i32 = arith.constant 0 : i32
    %c0_i32_0 = arith.constant 0 : i32
    %c0_i32_1 = arith.constant 0 : i32
    return %c0_i32, %c0_i32_0 : i32, i32
  }
  func.func @transform_4(%arg0: i32) -> (i32, i32, i32) {
    %c0_i32 = arith.constant 0 : i32
    %c0_i32_0 = arith.constant 0 : i32
    %c0_i32_1 = arith.constant 0 : i32
    return %c0_i32, %arg0, %c0_i32_0 : i32, i32, i32
  }
}

module attributes {stable_mosaic.version = 14 : i64} {
  func.func @_fin_body(%arg0: i32, %arg1: memref<2x2048x128xf32, #tpu.memory_space<vmem>>, %arg2: memref<2x2048x128xf32, #tpu.memory_space<vmem>>, %arg3: memref<256x128xf32, #tpu.memory_space<vmem>>, %arg4: memref<256x40xf32, #tpu.memory_space<vmem>>, %arg5: memref<2048x256xf32, #tpu.memory_space<vmem>>, %arg6: memref<2048x128xf32, #tpu.memory_space<vmem>>, %arg7: memref<2048x40xf32, #tpu.memory_space<vmem>>) attributes {dimension_semantics = [#tpu.dimension_semantics<arbitrary>], iteration_bounds = array<i64: 5>, scalar_prefetch = 0 : i64, scratch_operands = 0 : i64, tpu.core_type = #tpu.core_type<tc>, window_params = [{transform_indices = @transform_0, window_bounds = array<i64: 2, 2048, 128>}, {transform_indices = @transform_1, window_bounds = array<i64: 2, 2048, 128>}, {pipeline_mode = #tpu.pipeline_mode<synchronous>, transform_indices = @transform_2, window_bounds = array<i64: 256, 128>}, {pipeline_mode = #tpu.pipeline_mode<synchronous>, transform_indices = @transform_3, window_bounds = array<i64: 256, 40>}, {transform_indices = @transform_4, window_bounds = array<i64: 2048, 256>}, {transform_indices = @transform_5, window_bounds = array<i64: 2048, 128>}, {transform_indices = @transform_6, window_bounds = array<i64: 2048, 40>}]} {
    %get3A = arith.constant 0 : index
    %get3A_0 = arith.constant 0 : index
    %get3A_1 = arith.constant 0 : index
    %get3A_2 = vector.load %arg1[%get3A, %get3A_0, %get3A_1] : memref<2x2048x128xf32, #tpu.memory_space<vmem>>, vector<1x2048x128xf32>
    %get3A_3 = vector.shape_cast %get3A_2 : vector<1x2048x128xf32> to vector<2048x128xf32>
    %get3A_4 = arith.constant 1 : index
    %get3A_5 = arith.constant 0 : index
    %get3A_6 = arith.constant 0 : index
    %get3A_7 = vector.load %arg1[%get3A_4, %get3A_5, %get3A_6] : memref<2x2048x128xf32, #tpu.memory_space<vmem>>, vector<1x2048x128xf32>
    %get3A_8 = vector.shape_cast %get3A_7 : vector<1x2048x128xf32> to vector<2048x128xf32>
    %add3A = arith.addf %get3A_3, %get3A_8 : vector<2048x128xf32>
    %get3A_9 = arith.constant 0 : index
    %get3A_10 = arith.constant 0 : index
    %get3A_11 = arith.constant 0 : index
    %get3A_12 = vector.load %arg2[%get3A_9, %get3A_10, %get3A_11] : memref<2x2048x128xf32, #tpu.memory_space<vmem>>, vector<1x2048x128xf32>
    %get3A_13 = vector.shape_cast %get3A_12 : vector<1x2048x128xf32> to vector<2048x128xf32>
    %get3A_14 = arith.constant 1 : index
    %get3A_15 = arith.constant 0 : index
    %get3A_16 = arith.constant 0 : index
    %get3A_17 = vector.load %arg2[%get3A_14, %get3A_15, %get3A_16] : memref<2x2048x128xf32, #tpu.memory_space<vmem>>, vector<1x2048x128xf32>
    %get3A_18 = vector.shape_cast %get3A_17 : vector<1x2048x128xf32> to vector<2048x128xf32>
    %add3A_19 = arith.addf %get3A_13, %get3A_18 : vector<2048x128xf32>
    %concatenate3A = tpu.concatenate %add3A, %add3A_19 in 1 : vector<2048x128xf32>, vector<2048x128xf32> -> vector<2048x256xf32>
    %mul3A = arith.mulf %concatenate3A, %concatenate3A : vector<2048x256xf32>
    %reduce_sum3A = arith.constant dense<0.000000e+00> : vector<2048xf32>
    %reduce_sum3A_20 = vector.multi_reduction <add>, %mul3A, %reduce_sum3A [1] : vector<2048x256xf32> to vector<2048xf32>
    %broadcast_in_dim3A = vector.shape_cast %reduce_sum3A_20 : vector<2048xf32> to vector<2048x1xf32>
    %sqrt3A = math.sqrt %broadcast_in_dim3A : vector<2048x1xf32>
    %max3A = arith.constant 9.99999996E-13 : f32
    %max3A_21 = vector.broadcast %max3A : f32 to vector<2048x1xf32>
    %max3A_22 = arith.maximumf %sqrt3A, %max3A_21 : vector<2048x1xf32>
    %div3A = vector.broadcast %max3A_22 : vector<2048x1xf32> to vector<2048x256xf32>
    %div3A_23 = arith.divf %concatenate3A, %div3A : vector<2048x256xf32>
    %swap3A = arith.constant 0 : index
    %swap3A_24 = arith.constant 0 : index
    %swap3A_25 = vector.load %arg5[%swap3A, %swap3A_24] : memref<2048x256xf32, #tpu.memory_space<vmem>>, vector<2048x256xf32>
    tpu.vector_store %arg5[%swap3A, %swap3A_24], %div3A_23 {strides = array<i32>} : memref<2048x256xf32, #tpu.memory_space<vmem>>, vector<2048x256xf32>,
    %get3A_26 = arith.constant 0 : index
    %get3A_27 = arith.constant 0 : index
    %get3A_28 = vector.load %arg3[%get3A_26, %get3A_27] : memref<256x128xf32, #tpu.memory_space<vmem>>, vector<256x128xf32>
    %dot_general3A = arith.constant dense<0.000000e+00> : vector<2048x128xf32>
    %dot_general3A_29 = tpu.matmul %div3A_23, %get3A_28, %dot_general3A {dimension_numbers = #tpu.dot_dimension_numbers<[1], [0], [0], [1], [0, 0, 1, 1], [], []>, transpose_lhs_hint = false} : vector<2048x256xf32>, vector<256x128xf32>, vector<2048x128xf32> -> vector<2048x128xf32>
    %swap3A_30 = arith.constant 0 : index
    %swap3A_31 = arith.constant 0 : index
    %swap3A_32 = vector.load %arg6[%swap3A_30, %swap3A_31] : memref<2048x128xf32, #tpu.memory_space<vmem>>, vector<2048x128xf32>
    tpu.vector_store %arg6[%swap3A_30, %swap3A_31], %dot_general3A_29 {strides = array<i32>} : memref<2048x128xf32, #tpu.memory_space<vmem>>, vector<2048x128xf32>,
    %get3A_33 = arith.constant 0 : index
    %get3A_34 = arith.constant 0 : index
    %get3A_35 = vector.load %arg4[%get3A_33, %get3A_34] : memref<256x40xf32, #tpu.memory_space<vmem>>, vector<256x40xf32>
    %dot_general3A_36 = arith.constant dense<0.000000e+00> : vector<2048x40xf32>
    %dot_general3A_37 = tpu.matmul %div3A_23, %get3A_35, %dot_general3A_36 {dimension_numbers = #tpu.dot_dimension_numbers<[1], [0], [0], [1], [0, 0, 1, 1], [], []>, transpose_lhs_hint = false} : vector<2048x256xf32>, vector<256x40xf32>, vector<2048x40xf32> -> vector<2048x40xf32>
    %swap3A_38 = arith.constant 0 : index
    %swap3A_39 = arith.constant 0 : index
    %swap3A_40 = vector.load %arg7[%swap3A_38, %swap3A_39] : memref<2048x40xf32, #tpu.memory_space<vmem>>, vector<2048x40xf32>
    tpu.vector_store %arg7[%swap3A_38, %swap3A_39], %dot_general3A_37 {strides = array<i32>} : memref<2048x40xf32, #tpu.memory_space<vmem>>, vector<2048x40xf32>,
    return
  }
  func.func @transform_0(%arg0: i32) -> (i32, i32, i32) {
    %c0_i32 = arith.constant 0 : i32
    %c0_i32_0 = arith.constant 0 : i32
    %c0_i32_1 = arith.constant 0 : i32
    return %c0_i32, %arg0, %c0_i32_0 : i32, i32, i32
  }
  func.func @transform_1(%arg0: i32) -> (i32, i32, i32) {
    %c0_i32 = arith.constant 0 : i32
    %c0_i32_0 = arith.constant 0 : i32
    %c0_i32_1 = arith.constant 0 : i32
    return %c0_i32, %arg0, %c0_i32_0 : i32, i32, i32
  }
  func.func @transform_2(%arg0: i32) -> (i32, i32) {
    %c0_i32 = arith.constant 0 : i32
    %c0_i32_0 = arith.constant 0 : i32
    %c0_i32_1 = arith.constant 0 : i32
    return %c0_i32, %c0_i32_0 : i32, i32
  }
  func.func @transform_3(%arg0: i32) -> (i32, i32) {
    %c0_i32 = arith.constant 0 : i32
    %c0_i32_0 = arith.constant 0 : i32
    %c0_i32_1 = arith.constant 0 : i32
    return %c0_i32, %c0_i32_0 : i32, i32
  }
  func.func @transform_4(%arg0: i32) -> (i32, i32) {
    %c0_i32 = arith.constant 0 : i32
    %c0_i32_0 = arith.constant 0 : i32
    return %arg0, %c0_i32 : i32, i32
  }
  func.func @transform_5(%arg0: i32) -> (i32, i32) {
    %c0_i32 = arith.constant 0 : i32
    %c0_i32_0 = arith.constant 0 : i32
    return %arg0, %c0_i32 : i32, i32
  }
  func.func @transform_6(%arg0: i32) -> (i32, i32) {
    %c0_i32 = arith.constant 0 : i32
    %c0_i32_0 = arith.constant 0 : i32
    return %arg0, %c0_i32 : i32, i32
  }
}

</mosaic_0001>

<sc_bundles>
// kernel: kernel.12.cloned.1.call-start
scs
__scs_entry_jumppad:
0x0: {  	(pc) =	sbr.rel $0x88, $3  }
0x1: {  	(tag) =	ssettag $0x0;
	lr =	simm.s32 $0x1  }
0x2: {  	[smem:$0x3F9B] =	sst lr;
	_ =	strace $0xD0000000  }
0x3: {  	_ = 	snop  }
0x4: {  	_ = 	snop  }
0x5: {  	_ = 	snop  }
0x6: {  	_ = 	snop  }
0x7: {  	_ = 	snop  }
__scs_overlays_trampoline_lowered:
0x8: {  	[smem:$0x3FAA] =	sst s0  }
0x9: {  	[smem:$0x3FAB] =	sst s1  }
0xa: {  	[smem:$0x3FAC] =	sst s2  }
0xb: {  	[smem:$0x3FAD] =	sst s3  }
0xc: {  	[smem:$0x3FAE] =	sst s4  }
0xd: {  	[smem:$0x3FAF] =	sst s5  }
0xe: {  	[smem:$0x3FB0] =	sst s6  }
0xf: {  	[smem:$0x3FB1] =	sst s7  }
0x10: {  	[smem:$0x3FB2] =	sst s8  }
0x11: {  	[smem:$0x3FB3] =	sst s9;
	s0 =	simm.s32 @!p0 $0x0  }
0x12: {  	s1 =	sld [smem:$0x3F99];
	s0 =	simm.s32 @p0 $0x1  }
0x13: {  	[smem:$0x3FB4] =	sst s0;
	s0 =	simm.s32 @!p1 $0x0  }
0x14: {  	s2 =	sld [smem:$0x3F98];
	s0 =	simm.s32 @p1 $0x1  }
0x15: {  	[smem:$0x3FB5] =	sst s0;
	s0 =	simm.s32 @!p2 $0x0  }
0x16: {  	s3 =	sld [smem:$0x3FDB];
	s0 =	simm.s32 @p2 $0x1  }
0x17: {  	s4 =	simm.s32 $0x1BF5;
	[smem:$0x3FB7] =	sst s0  }
0x18: {  	s0 =	sld [smem:$0x3F9A];
	_ =	swait.ge [sflag:s4], $0x0  }
0x19: {  	s7 =	sld [smem:$0x3F9B]  }
0x1a: {  	s8 =	sadd.s32 $0xFFFFE003, lr  }
0x1b: {  	s9 =	sadd.s32 $0xFFFFFEF7, lr;
	s5 =	simm.s32 $0xFFFFFFFF;
	p2 =	slt.u32 s8, $0xFFFFF086  }
0x1c: {  	p1 =	slt.u32 s9, $0xF7A;
	s5 =	simm.s32 @!p2 $0x0  }
0x1d: {  	s5 =	simm.s32 @p1 $0x1;
	p0 =	seq.s32 s7, s2  }
0x1e: {  	s7 =	smul.u32 @!p0 $0xF7A, s2;
	p2 =	seq.s32 @!p0 s5, $0x0  }
0x1f: {  	s9 =	smul.u32 $0xF7A, s1;
	s8 =	simm.s32 @!p0 $0x1BF5;
	p2 =	por !p2, p0  }
0x20: {  	[sflag:s8] =	ssyncset.s32 @!p0 $0xFFFFF086;
	s6 =	sadd.s32 @!p0 s3, s7;
	s7 =	simm.s32 @!p0 $0x108  }
0x21: {  	s3 =	sadd.s32 s3, s9;
	s6 =	sadd.s32 @!p0 $0x88, s6;
	s7 =	simm.s32 @p2 $0x1082  }
0x22: {  	[simem:s7], [sflag:s8] =	dma.local @!p0 [hbm:s6], $0xF7A  }
0x23: {  	s9 =	sor.u32 $0xD0000000, s2;
	s6 =	simm.s32 $0x108;
	_ =	swait.ge @!p0 [sflag:s8], $0x0  }
0x24: {  	s3 =	sadd.s32 $0x88, s3;
	s6 =	simm.s32 @!p1 $0x1082;
	[sflag:s4] =	ssyncset.s32 $0xFFFFF086  }
0x25: {  	[simem:s6], [sflag:s4] =	dma.local [hbm:s3], $0xF7A  }
0x26: {  	[smem:$0x3F9B] =	sst s1;
	(tag) =	ssettag s2;
	_ =	strace s9  }
0x27: {  	s1 =	sld [smem:$0x3FAB]  }
0x28: {  	s2 =	sld [smem:$0x3FAC]  }
0x29: {  	s4 =	sld [smem:$0x3FAE]  }
0x2a: {  	p0 =	seq.s32 s5, $0x0;
	s5 =	sld [smem:$0x3FAF]  }
0x2b: {  	s6 =	sld [smem:$0x3FB0]  }
0x2c: {  	s7 =	sld [smem:$0x3FB1]  }
0x2d: {  	s3 =	simm.s32 $0x108;
	s8 =	sld [smem:$0x3FB2]  }
0x2e: {  	s3 =	simm.s32 @!p0 $0x1082;
	s9 =	sld [smem:$0x3FB3]  }
0x2f: {  	lr =	sadd.s32 s0, s3;
	s0 =	sld [smem:$0x3FAA]  }
0x30: {  	s3 =	sld [smem:$0x3FAD]  }
0x31: {  	[smem:$0x3FB6] =	sst s10  }
0x32: {  	s10 =	sld [smem:$0x3FB4];
	_ =	sdelay $0x3  }
0x33: {  	p0 =	seq.s32 s10, $0x1;
	s10 =	sld [smem:$0x3FB6];
	_ =	sdelay $0x3  }
0x34: {  	[smem:$0x3FB6] =	sst s10  }
0x35: {  	s10 =	sld [smem:$0x3FB5];
	_ =	sdelay $0x3  }
0x36: {  	p1 =	seq.s32 s10, $0x1;
	s10 =	sld [smem:$0x3FB6];
	_ =	sdelay $0x3  }
0x37: {  	[smem:$0x3FB6] =	sst s10  }
0x38: {  	s10 =	sld [smem:$0x3FB7]  }
0x39: {  	_ = 	snop;
	(pc) =	sbr.ind lr, $3  }
0x3a: {  	_ = 	snop  }
0x3b: {  	_ = 	snop  }
0x3c: {  	p2 =	seq.s32 s10, $0x1;
	s10 =	sld [smem:$0x3FB6]  }
0x3d: {  	_ =	shalt  }
0x3e: {  	_ =	shalt  }
0x3f: {  	_ =	shalt  }
0x40: {  	_ =	shalt  }
0x41: {  	_ =	shalt  }
0x42: {  	_ =	shalt  }
0x43: {  	_ =	shalt  }
0x44: {  	_ =	shalt  }
0x45: {  	_ =	shalt  }
0x46: {  	_ =	shalt  }
0x47: {  	_ =	shalt  }
0x48: {  	_ =	shalt  }
0x49: {  	_ =	shalt  }
0x4a: {  	_ =	shalt  }
0x4b: {  	_ =	shalt  }
0x4c: {  	_ =	shalt  }
0x4d: {  	_ =	shalt  }
0x4e: {  	_ =	shalt  }
0x4f: {  	_ =	shalt  }
0x50: {  	_ =	shalt  }
0x51: {  	_ =	shalt  }
0x52: {  	_ =	shalt  }
0x53: {  	_ =	shalt  }
0x54: {  	_ =	shalt  }
0x55: {  	_ =	shalt  }
0x56: {  	_ =	shalt  }
0x57: {  	_ =	shalt  }
0x58: {  	_ =	shalt  }
0x59: {  	_ =	shalt  }
0x5a: {  	_ =	shalt  }
0x5b: {  	_ =	shalt  }
0x5c: {  	_ =	shalt  }
0x5d: {  	_ =	shalt  }
0x5e: {  	_ =	shalt  }
0x5f: {  	_ =	shalt  }
0x60: {  	_ =	shalt  }
0x61: {  	_ =	shalt  }
0x62: {  	_ =	shalt  }
0x63: {  	_ =	shalt  }
0x64: {  	_ =	shalt  }
0x65: {  	_ =	shalt  }
0x66: {  	_ =	shalt  }
0x67: {  	_ =	shalt  }
0x68: {  	_ =	shalt  }
0x69: {  	_ =	shalt  }
0x6a: {  	_ =	shalt  }
0x6b: {  	_ =	shalt  }
0x6c: {  	_ =	shalt  }
0x6d: {  	_ =	shalt  }
0x6e: {  	_ =	shalt  }
0x6f: {  	_ =	shalt  }
0x70: {  	_ =	shalt  }
0x71: {  	_ =	shalt  }
0x72: {  	_ =	shalt  }
0x73: {  	_ =	shalt  }
0x74: {  	_ =	shalt  }
0x75: {  	_ =	shalt  }
0x76: {  	_ =	shalt  }
0x77: {  	_ =	shalt  }
0x78: {  	_ =	shalt  }
0x79: {  	_ =	shalt  }
0x7a: {  	_ =	shalt  }
0x7b: {  	_ =	shalt  }
0x7c: {  	_ =	shalt  }
0x7d: {  	_ =	shalt  }
0x7e: {  	_ =	shalt  }
0x7f: {  	_ =	shalt  }
0x80: {  	_ =	shalt  }
0x81: {  	_ =	shalt  }
0x82: {  	_ =	shalt  }
0x83: {  	_ =	shalt  }
0x84: {  	_ =	shalt  }
0x85: {  	_ =	shalt  }
0x86: {  	_ =	shalt  }
0x87: {  	_ =	shalt  }
.Lfunc_end0:
.L_simem_size_0:
called_computation.1_lowered:
.L_overlay_start_0:
0x88: {  	s2 =	sld [smem:$0x3FD9]  }
0x89: {  	s3 =	sld [smem:$0x3FFE];
	_ =	sdelay $0x1  }
0x8a: {  	s1 =	srdreg.scid  }
0x8b: {  	s0 =	sand.u32 $0x1, s1  }
0x8c: {  	s14 =	sshll.u32 s0, $0xA;
	s2 =	sadd.s32 s3, s2  }
0x8d: {  	s2 =	sadd.s32 s2, s14  }
0x8e: {  	[smem:$0x3FC2] =	sst s2  }
0x8f: {  	_ = 	snop  }
0x90: {  	s2 =	sld [smem:$0x3FD0];
	_ =	sdelay $0x2  }
0x91: {  	s15 =	simm.s32 $0xB;
	s4 =	simm.s32 $0x10  }
0x92: {  	[smem:s4], [sflag:s15] =	dma.local [hbm:s2], $0x1  }
0x93: {  	_ =	swait.eq [sflag:s15], $0x1  }
0x94: {  	s16 =	sld [smem:$0x10];
	[sflag:s15] =	ssyncset.done $0x0  }
0x95: {  	s17 =	sld [smem:$0x11];
	[sflag:s15] =	ssyncadd.s32 $0xFFFFFFFF  }
0x96: {  	s18 =	sld [smem:$0x12];
	(tm) =	ssettm $0x1  }
0x97: {  	s5 =	sld [smem:$0x3FFB];
	_ =	sdelay $0x3  }
0x98: {  	_ =	strace s5  }
0x99: {  	s5 =	sld [smem:$0x3FFC];
	_ =	sdelay $0x3  }
0x9a: {  	_ =	strace s5  }
0x9b: {  	s5 =	sld [smem:$0x3FFD];
	_ =	sdelay $0x3  }
0x9c: {  	_ =	strace s5  }
0x9d: {  	_ =	strace $0x8FFFFFFF  }
0x9e: {  	s19 =	sld [smem:$0x3FDB];
	_ =	sdelay $0x1  }
0x9f: {  	s6 =	simm.s32 $_scs_section_size  }
0xa0: {  	s7 =	simm.s32 $_size__tile_overlayer_lowered;
	s8 =	simm.s32 $_tile_overlayer_lowered  }
0xa1: {  	s22 =	simm.s32 $0x1BFF;
	s21 =	sshll.u32 s8, $0x1;
	s5 =	sadd.s32 s6, s19  }
0xa2: {  	s9 =	simm.s32 $0x0;
	s20 =	sshll.u32 s7, $0x1;
	s7 =	sadd.s32 s21, s5  }
0xa3: {  	[timem:s9], [sflag:s22] =	dma.local [hbm:s7], s20  }
0xa4: {  	_ =	swait.ge [sflag:s22], s20  }
0xa5: {  	s6 =	ssub.s32 $0x0, s20;
	[sflag:s22] =	ssyncset.done $0x0  }
0xa6: {  	[sflag:s22] =	ssyncadd.s32 s6;
	_ =	sdelay $0x1  }
0xa7: {  	s23 =	simm.s32 $0x1B8B  }
0xa8: {  	_ =	swait.ge [sflag:s23], $0x1  }
0xa9: {  	[sflag:s23] =	ssyncset.done $0x0  }
0xaa: {  	s25 =	simm.s32 $0x1B8E;
	s24 =	sld [smem:$0x3FFE];
	[sflag:s23] =	ssyncadd.s32 $0xFFFFFFFF  }
0xab: {  	s26 =	simm.s32 $execute0_lowered;
	[smem:$0x3FD2] =	sst s25  }
0xac: {  	s7 =	sshll.u32 s26, $0x1;
	_ =	strace $0x80000049;
	[dreg:$0x1] =	wrdreg $0xFFFFFFFF  }
0xad: {  	s28 =	simm.s32 $_size_execute0_lowered;
	s5 =	sadd.s32 s5, s7;
	[dreg:$0x0] =	wrdreg $0x0  }
0xae: {  	s7 =	sshll.u32 s28, $0x1;
	[dreg:$0x2] =	wrdreg s5  }
0xaf: {  	[dreg:$0x3] =	wrdreg s7  }
0xb0: {  	[dreg:$0x4] =	wrdreg $0xC0  }
0xb1: {  	_ =	task [dreg:s9], $0x5FFFF  }
0xb2: {  	[dreg:$0x1] =	wrdreg $0xFFFFFFFF  }
0xb3: {  	[dreg:$0x0] =	wrdreg $0x60  }
0xb4: {  	[dreg:$0x2] =	wrdreg s18  }
0xb5: {  	[dreg:$0x3] =	wrdreg s17  }
0xb6: {  	[dreg:$0x4] =	wrdreg s16  }
0xb7: {  	[dreg:$0x5] =	wrdreg s24  }
0xb8: {  	[dreg:$0x6] =	wrdreg $0x98000  }
0xb9: {  	[dreg:$0x7] =	wrdreg $0x9  }
0xba: {  	_ =	task.clear_ibuf [dreg:s9], $0x8FFFF;
	_ =	strace $0x90000049  }
0xbb: {  	s29 =	simm.s32 $0x9;
	_ =	strace $0x8000004B  }
0xbc: {  	_ =	swait.ge [sflag:s29], $0x1  }
0xbd: {  	[sflag:s29] =	ssyncadd.s32 $0xFFFFFFFF  }
0xbe: {  	_ =	strace $0x9000004B  }
0xbf: {  	_ =	sfence  }
0xc0: {  	s30 =	sld [smem:$0x0];
	_ =	sdelay $0x2  }
0xc1: {  	s31 =	sshll.u32 s1, $0xD;
	s1 =	sshrl.u32 s1, $0x2  }
0xc2: {  	s3 =	sand.u32 $0x4000, s31;
	s1 =	sadd.s32 s1, s30  }
0xc3: {  	s0 =	sor.u32 s3, s0;
	s1 =	sshll.u32 s1, $0x11  }
0xc4: {  	s0 =	sor.u32 s1, s0  }
0xc5: {  	s0 =	sadd.s32 $0x8F2B, s0  }
0xc6: {  	[sflag:s0] =	ssyncadd.remote.s32 $0x1  }
0xc7: {  	_ =	sfence.sel $0xFFFF  }
0xc8: {  	[dreg:$0x0] =	wrdreg $0xFFFFFFFF;
	(pc) =	sbr.abs _section_cstart, $3  }
0xc9: {  	[dreg:$0x1] =	wrdreg $0xFFFFFFFF  }
0xca: {  	_ =	task.clear_ibuf [dreg:s9], $0x2FFFF;
	_ =	strace $0x9FFFFFFF  }
0xcb: {  	(tm) =	ssettm $0x7FFFFFFF  }
tec
execute0_lowered:
.L_overlay_start_1:
0x0: {  	(tag) =	ssettag $0x1  }
0x1: {  	s5 =	rddreg [dreg:$0x0]  }
0x2: {  	s6 =	rddreg [dreg:$0x1]  }
0x3: {  	s1 =	rddreg [dreg:$0x2]  }
0x4: {  	s8 =	rddreg [dreg:$0x3]  }
0x5: {  	s0 =	srdreg.scid;
	s3 =	rddreg [dreg:$0x4]  }
0x6: {  	s4 =	simm.s32 $0x0;
	s7 =	sand.u32 $0x1, s0;
	s0 =	stileid.u32  }
0x7: {  	s28 =	simm.s32 $0x0;
	[smem:$0x7FF] =	sst s4;
	s10 =	smul.u32 $0x50000, s0  }
0x8: {  	s18 =	sadd.s32 $0x2000, s8;
	s2 =	sshll.u32 s7, $0x4;
	s16 =	smul.u32 $0x140000, s7  }
0x9: {  	s11 =	ssub.s32 $0x2, s7;
	s17 =	smul.u32 $0x14000, s0;
	s2 =	sor.u32 s0, s2  }
0xa: {  	_ =	strace $0x8000004A;
	s22 =	sshrl.u32 s11, $0x1;
	s9 =	smul.u32 $0x580, s2  }
0xb: {  	s11 =	ssub.s32 s11, s22;
	s23 =	sshrl.u32 s10, $0x2;
	s24 =	sadd.s32 s16, s17  }
0xc: {  	s15 =	sadd.s32 $0x4000, s17;
	s19 =	sadd.s32 $0x8000, s17;
	s26 =	sadd.s32 $0xC000, s17  }
0xd: {  	s7 =	sadd.s32 s23, s3;
	s8 =	sshrl.u32 s24, $0x3;
	s13 =	sadd.s32 s16, s15  }
0xe: {  	s20 =	sadd.s32 s16, s19;
	s22 =	sadd.s32 s15, s3;
	s21 =	sadd.s32 s16, s26  }
0xf: {  	s23 =	sadd.s32 $0x10000, s17;
	s24 =	sadd.s32 s19, s3;
	s19 =	simm.s32 $0x2C00  }
0x10: {  	s5 =	sadd.s32 s5, s9;
	s6 =	sadd.s32 s6, s9;
	s8 =	sadd.s32 s18, s8  }
0x11: {  	s9 =	smax.u32 s11, $0x1;
	s10 =	sadd.s32 $0x4000, s7;
	s11 =	sadd.s32 $0x8000, s7  }
0x12: {  	s12 =	sadd.s32 $0xC000, s7;
	s14 =	sshrl.u32 s13, $0x3;
	s13 =	sadd.s32 $0x10000, s7  }
0x13: {  	s25 =	sshrl.u32 s20, $0x3;
	s29 =	sshrl.u32 s21, $0x3;
	s30 =	sadd.s32 s16, s23  }
0x14: {  	s20 =	simm.s32 $0x5800;
	s21 =	simm.s32 $0x80;
	s22 =	sshrl.u32 s22, $0x3  }
0x15: {  	s14 =	sadd.s32 s18, s14;
	s15 =	sadd.s32 s18, s25;
	s16 =	sadd.s32 s18, s29  }
0x16: {  	s25 =	sadd.s32 s26, s3;
	s31 =	sshrl.u32 s30, $0x3;
	s26 =	sadd.s32 s23, s3  }
0x17: {  	s23 =	sshrl.u32 s24, $0x3;
	s17 =	sadd.s32 s18, s31;
	s18 =	simm.s32 $0x2  }
0x18: {  	v0 =	vimm.f32 $0.0e+00;
	s24 =	sshrl.u32 s25, $0x3;
	s25 =	sshrl.u32 s26, $0x3;
	s26 =	simm.s32 $0x1  }
.LBB2_1:
0x19: {  	[tilespmem:s4], [sflag:$0x2] =	stream.linear.gather [hbm4b:s5+s4], $0x2900, $0x38;
	[tilespmem:$0x1D800] =	vst v63  }
0x1a: {  	_ =	swait.ge [sflag:s18], $0x2900  }
0x1b: {  	[sflag:s18] =	ssyncset.done $0x0  }
0x1c: {  	[sflag:s18] =	ssyncadd.s32 $0xFFFFD700  }
0x1d: {  	[tilespmem:s19], [sflag:$0x2] =	stream.linear.gather [hbm4b:s6+s4], $0x2900, $0x38;
	[tilespmem:$0x1D800] =	vst v63  }
0x1e: {  	_ =	swait.ge [sflag:s18], $0x2900  }
0x1f: {  	[sflag:s18] =	ssyncset.done $0x0  }
0x20: {  	s29 =	simm.s32 $0x0;
	s30 =	simm.s32 $0x200;
	[sflag:s18] =	ssyncadd.s32 $0xFFFFD700  }
.LBB2_2:
0x21: {  	p0 =	sne.s32 s30, $0xFE00;
	[tilespmem:s29+$0x5870] =	vst v0  }
0x22: {  	[tilespmem:s29+$0x5800] =	vst v0  }
0x23: {  	[tilespmem:s29+$0x5810] =	vst v0  }
.Ltmp0:
0x24: {  	[tilespmem:s29+$0x5820] =	vst v0;
	(pc) =	sbr.rel @p0 .LBB2_2-.Ltmp0, $4  }
0x25: {  	[tilespmem:s29+$0x5830] =	vst v0  }
0x26: {  	[tilespmem:s29+$0x5840] =	vst v0  }
0x27: {  	[tilespmem:s29+$0x5850] =	vst v0  }
0x28: {  	[tilespmem:s29+$0x5860] =	vst v0;
	s29 =	sshra.s32 s30, $0x2;
	s30 =	sadd.s32 $0x200, s30  }
0x29: {  	[tilespmem:s29+$0x5870] =	vst v0  }
0x2a: {  	[tilespmem:s29+$0x5800] =	vst v0  }
0x2b: {  	[tilespmem:s29+$0x5810] =	vst v0  }
0x2c: {  	[tilespmem:s29+$0x5820] =	vst v0  }
0x2d: {  	[tilespmem:s29+$0x5830] =	vst v0  }
0x2e: {  	[tilespmem:s29+$0x5840] =	vst v0  }
0x2f: {  	[tilespmem:s29+$0x5850] =	vst v0  }
0x30: {  	[tilespmem:s29+$0x5860] =	vst v0  }
0x31: {  	[spmem:s7] =	stream.linear.scatter [tilespmem:s20], [sflag:$0x2], $0x4000, $0x38;
	[tilespmem:$0x1D800] =	vst v63  }
0x32: {  	_ =	swait.ge [sflag:s18], $0x4000  }
0x33: {  	[sflag:s18] =	ssyncset.done $0x0  }
0x34: {  	[sflag:s18] =	ssyncadd.s32 $0xFFFFC000  }
0x35: {  	[spmem:s10] =	stream.linear.scatter [tilespmem:s20], [sflag:$0x2], $0x4000, $0x38;
	[tilespmem:$0x1D800] =	vst v63  }
0x36: {  	_ =	swait.ge [sflag:s18], $0x4000  }
0x37: {  	[sflag:s18] =	ssyncset.done $0x0  }
0x38: {  	[sflag:s18] =	ssyncadd.s32 $0xFFFFC000  }
0x39: {  	[spmem:s11] =	stream.linear.scatter [tilespmem:s20], [sflag:$0x2], $0x4000, $0x38;
	[tilespmem:$0x1D800] =	vst v63  }
0x3a: {  	_ =	swait.ge [sflag:s18], $0x4000  }
0x3b: {  	[sflag:s18] =	ssyncset.done $0x0  }
0x3c: {  	[sflag:s18] =	ssyncadd.s32 $0xFFFFC000  }
0x3d: {  	[spmem:s12] =	stream.linear.scatter [tilespmem:s20], [sflag:$0x2], $0x4000, $0x38;
	[tilespmem:$0x1D800] =	vst v63  }
0x3e: {  	_ =	swait.ge [sflag:s18], $0x4000  }
0x3f: {  	[sflag:s18] =	ssyncset.done $0x0  }
0x40: {  	[sflag:s18] =	ssyncadd.s32 $0xFFFFC000  }
0x41: {  	[spmem:s13] =	stream.linear.scatter [tilespmem:s20], [sflag:$0x2], $0x4000, $0x38;
	[tilespmem:$0x1D800] =	vst v63  }
0x42: {  	_ =	swait.ge [sflag:s18], $0x4000  }
0x43: {  	[sflag:s18] =	ssyncset.done $0x0  }
0x44: {  	[sflag:s18] =	ssyncadd.s32 $0xFFFFC000  }
0x45: {  	s29 =	simm.s32 $0x0;
	[bflag:$0x0] =	sbarrier.arrive $0xFFFF  }
0x46: {  	[tilespmem:s20], [sflag:$0x1] =	stream.indirect.gather [hbm4b:s1+s21], $0x80, s29, s21, $0xb8;
	[tilespmem:$0x1D800] =	vst v63  }
0x47: {  	_ =	swait.ge [sflag:s26], $0x4000  }
0x48: {  	[sflag:s26] =	ssyncset.done $0x0  }
0x49: {  	s29 =	simm.s32 $0x2C00;
	[sflag:s26] =	ssyncadd.s32 $0xFFFFC000  }
0x4a: {  	[spmem:s3] =	stream.indirect.scatter.add.f32 [tilespmem:s20], [sflag:$0x2], $0x80, s29, s21, $0xb8;
	[tilespmem:$0x1D800] =	vst v63  }
0x4b: {  	_ =	swait.ge [sflag:s18], $0x4000  }
0x4c: {  	s30 =	simm.s32 $0x400;
	s29 =	simm.s32 $0x200;
	[sflag:s18] =	ssyncset.done $0x0  }
.LBB2_4:
0x4d: {  	s31 =	sshra.s32 s29, $0x2  }
0x4e: {  	[sflag:s18] =	ssyncadd.s32 $0xFFFFC000;
	s29 =	smov.u32 s30;
	s2 =	sadd.s32 $0x200, s30  }
0x4f: {  	[tilespmem:s20], [sflag:$0x1] =	stream.indirect.gather [hbm4b:s1+s21], $0x80, s31, s21, $0xb8;
	[tilespmem:$0x1D800] =	vst v63  }
0x50: {  	p0 =	sne.s32 s30, $0xA200;
	_ =	swait.ge [sflag:s26], $0x4000  }
.Ltmp1:
0x51: {  	[sflag:s26] =	ssyncset.done $0x0;
	(pc) =	sbr.rel @p0 .LBB2_4-.Ltmp1, $4  }
0x52: {  	s30 =	sadd.s32 $0x2C00, s31;
	[sflag:s26] =	ssyncadd.s32 $0xFFFFC000  }
0x53: {  	[spmem:s3] =	stream.indirect.scatter.add.f32 [tilespmem:s20], [sflag:$0x2], $0x80, s30, s21, $0xb8;
	[tilespmem:$0x1D800] =	vst v63  }
0x54: {  	_ =	swait.ge [sflag:s18], $0x4000  }
0x55: {  	s30 =	smov.u32 s2;
	[sflag:s18] =	ssyncset.done $0x0  }
0x56: {  	s2 =	sshra.s32 s29, $0x2;
	[sflag:s18] =	ssyncadd.s32 $0xFFFFC000  }
0x57: {  	[tilespmem:s20], [sflag:$0x1] =	stream.indirect.gather [hbm4b:s1+s21], $0x80, s2, s21, $0xb8;
	[tilespmem:$0x1D800] =	vst v63  }
0x58: {  	_ =	swait.ge [sflag:s26], $0x4000  }
0x59: {  	[sflag:s26] =	ssyncset.done $0x0  }
0x5a: {  	s2 =	sadd.s32 $0x2C00, s2;
	[sflag:s26] =	ssyncadd.s32 $0xFFFFC000  }
0x5b: {  	[spmem:s3] =	stream.indirect.scatter.add.f32 [tilespmem:s20], [sflag:$0x2], $0x80, s2, s21, $0xb8;
	[tilespmem:$0x1D800] =	vst v63  }
0x5c: {  	_ =	swait.ge [sflag:s18], $0x4000  }
0x5d: {  	[sflag:s18] =	ssyncset.done $0x0  }
0x5e: {  	s30 =	sshll.u32 s0, $0x6;
	[sflag:s18] =	ssyncadd.s32 $0xFFFFC000  }
0x5f: {  	s31 =	sshrl.u32 s7, $0x3;
	s2 =	sor.u32 $0x1C02, s30;
	[bflag:$0x0] =	sbarrier.arrive $0xFFFF  }
0x60: {  	[hbm:s8], [sflag:s2] =	dma.local [spmem:s31], $0x800  }
0x61: {  	_ =	swait.ge [sflag:s18], $0x800  }
0x62: {  	[sflag:s18] =	ssyncset.done $0x0  }
0x63: {  	[sflag:s18] =	ssyncadd.s32 $0xFFFFF800  }
0x64: {  	[hbm:s14], [sflag:s2] =	dma.local [spmem:s22], $0x800  }
0x65: {  	_ =	swait.ge [sflag:s18], $0x800  }
0x66: {  	[sflag:s18] =	ssyncset.done $0x0  }
0x67: {  	[sflag:s18] =	ssyncadd.s32 $0xFFFFF800  }
0x68: {  	[hbm:s15], [sflag:s2] =	dma.local [spmem:s23], $0x800  }
0x69: {  	_ =	swait.ge [sflag:s18], $0x800  }
0x6a: {  	[sflag:s18] =	ssyncset.done $0x0  }
0x6b: {  	[sflag:s18] =	ssyncadd.s32 $0xFFFFF800  }
0x6c: {  	[hbm:s16], [sflag:s2] =	dma.local [spmem:s24], $0x800  }
0x6d: {  	s28 =	sadd.s32 $0x1, s28;
	_ =	swait.ge [sflag:s18], $0x800  }
0x6e: {  	p0 =	sne.s32 s28, s9;
	[sflag:s18] =	ssyncset.done $0x0  }
.Ltmp2:
0x6f: {  	[sflag:s18] =	ssyncadd.s32 $0xFFFFF800;
	(pc) =	sbr.rel @p0 .LBB2_1-.Ltmp2, $4  }
0x70: {  	[hbm:s17], [sflag:s2] =	dma.local [spmem:s25], $0x800  }
0x71: {  	_ =	swait.ge [sflag:s18], $0x800  }
0x72: {  	[sflag:s18] =	ssyncset.done $0x0  }
0x73: {  	[sflag:s18] =	ssyncadd.s32 $0xFFFFF800  }
0x74: {  	_ =	sfence.sel $0x180000  }
0x75: {  	[bflag:$0x0] =	sbarrier.arrive $0xFFFF  }
0x76: {  	_ =	strace $0x9000004A  }
0x77: {  	[bflag:$0x2] =	sbarrier.arrive $0xFFFF  }
0x78: {  	p0 =	sne.s32 s0, $0x0;
	s0 =	rddreg [dreg:$0x5]  }
0x79: {  	s0 =	sadd.s32 @!p0 $0x100000, s0  }
0x7a: {  	[sflag:s0] =	ssyncadd.tile.s32 @!p0 $0x1;
	_ =	shalt  }
.Lfunc_end2:
_tile_overlayer_lowered:
.L_overlay_start_2:
0x7b: {  	(tag) =	ssettag $0x2  }
0x7c: {  	s0 =	rddreg [dreg:$0x0];
	s2 =	stileid.u32  }
0x7d: {  	s1 =	rddreg [dreg:$0x1];
	p0 =	sne.s32 s2, $0x0  }
0x7e: {  	s3 =	rddreg [dreg:$0x2];
	[bflag:$0x3] =	sbarrier.arrive $0xFFFF;
	s2 =	simm.s32 @!p0 $0x1C02  }
0x7f: {  	[timem:s3], [sflag:s2] =	dma.local @!p0 [hbm:s0], s1  }
0x80: {  	s0 =	simm.s32 @!p0 $0x2  }
0x81: {  	_ =	swait.ge @!p0 [sflag:s0], s1  }
0x82: {  	s1 =	ssub.s32 @!p0 $0x0, s1;
	[sflag:s0] =	ssyncset.done @!p0 $0x0  }
0x83: {  	[sflag:s0] =	ssyncadd.s32 @!p0 s1  }
0x84: {  	[bflag:$0x3] =	sbarrier.arrive $0xFFFF  }
0x85: {  	_ =	shalt  }

// kernel: kernel.15.cloned.1.call-start
scs
__scs_entry_jumppad:
0x0: {  	(pc) =	sbr.rel $0x88, $3  }
0x1: {  	(tag) =	ssettag $0x0;
	lr =	simm.s32 $0x1  }
0x2: {  	[smem:$0x3F9B] =	sst lr;
	_ =	strace $0xD0000000  }
0x3: {  	_ = 	snop  }
0x4: {  	_ = 	snop  }
0x5: {  	_ = 	snop  }
0x6: {  	_ = 	snop  }
0x7: {  	_ = 	snop  }
__scs_overlays_trampoline_lowered:
0x8: {  	[smem:$0x3FAA] =	sst s0  }
0x9: {  	[smem:$0x3FAB] =	sst s1  }
0xa: {  	[smem:$0x3FAC] =	sst s2  }
0xb: {  	[smem:$0x3FAD] =	sst s3  }
0xc: {  	[smem:$0x3FAE] =	sst s4  }
0xd: {  	[smem:$0x3FAF] =	sst s5  }
0xe: {  	[smem:$0x3FB0] =	sst s6  }
0xf: {  	[smem:$0x3FB1] =	sst s7  }
0x10: {  	[smem:$0x3FB2] =	sst s8  }
0x11: {  	[smem:$0x3FB3] =	sst s9;
	s0 =	simm.s32 @!p0 $0x0  }
0x12: {  	s1 =	sld [smem:$0x3F99];
	s0 =	simm.s32 @p0 $0x1  }
0x13: {  	[smem:$0x3FB4] =	sst s0;
	s0 =	simm.s32 @!p1 $0x0  }
0x14: {  	s2 =	sld [smem:$0x3F98];
	s0 =	simm.s32 @p1 $0x1  }
0x15: {  	[smem:$0x3FB5] =	sst s0;
	s0 =	simm.s32 @!p2 $0x0  }
0x16: {  	s3 =	sld [smem:$0x3FDB];
	s0 =	simm.s32 @p2 $0x1  }
0x17: {  	s4 =	simm.s32 $0x1BF5;
	[smem:$0x3FB7] =	sst s0  }
0x18: {  	s0 =	sld [smem:$0x3F9A];
	_ =	swait.ge [sflag:s4], $0x0  }
0x19: {  	s7 =	sld [smem:$0x3F9B]  }
0x1a: {  	s8 =	sadd.s32 $0xFFFFE003, lr  }
0x1b: {  	s9 =	sadd.s32 $0xFFFFFEF7, lr;
	s5 =	simm.s32 $0xFFFFFFFF;
	p2 =	slt.u32 s8, $0xFFFFF086  }
0x1c: {  	p1 =	slt.u32 s9, $0xF7A;
	s5 =	simm.s32 @!p2 $0x0  }
0x1d: {  	s5 =	simm.s32 @p1 $0x1;
	p0 =	seq.s32 s7, s2  }
0x1e: {  	s7 =	smul.u32 @!p0 $0xF7A, s2;
	p2 =	seq.s32 @!p0 s5, $0x0  }
0x1f: {  	s9 =	smul.u32 $0xF7A, s1;
	s8 =	simm.s32 @!p0 $0x1BF5;
	p2 =	por !p2, p0  }
0x20: {  	[sflag:s8] =	ssyncset.s32 @!p0 $0xFFFFF086;
	s6 =	sadd.s32 @!p0 s3, s7;
	s7 =	simm.s32 @!p0 $0x108  }
0x21: {  	s3 =	sadd.s32 s3, s9;
	s6 =	sadd.s32 @!p0 $0x88, s6;
	s7 =	simm.s32 @p2 $0x1082  }
0x22: {  	[simem:s7], [sflag:s8] =	dma.local @!p0 [hbm:s6], $0xF7A  }
0x23: {  	s9 =	sor.u32 $0xD0000000, s2;
	s6 =	simm.s32 $0x108;
	_ =	swait.ge @!p0 [sflag:s8], $0x0  }
0x24: {  	s3 =	sadd.s32 $0x88, s3;
	s6 =	simm.s32 @!p1 $0x1082;
	[sflag:s4] =	ssyncset.s32 $0xFFFFF086  }
0x25: {  	[simem:s6], [sflag:s4] =	dma.local [hbm:s3], $0xF7A  }
0x26: {  	[smem:$0x3F9B] =	sst s1;
	(tag) =	ssettag s2;
	_ =	strace s9  }
0x27: {  	s1 =	sld [smem:$0x3FAB]  }
0x28: {  	s2 =	sld [smem:$0x3FAC]  }
0x29: {  	s4 =	sld [smem:$0x3FAE]  }
0x2a: {  	p0 =	seq.s32 s5, $0x0;
	s5 =	sld [smem:$0x3FAF]  }
0x2b: {  	s6 =	sld [smem:$0x3FB0]  }
0x2c: {  	s7 =	sld [smem:$0x3FB1]  }
0x2d: {  	s3 =	simm.s32 $0x108;
	s8 =	sld [smem:$0x3FB2]  }
0x2e: {  	s3 =	simm.s32 @!p0 $0x1082;
	s9 =	sld [smem:$0x3FB3]  }
0x2f: {  	lr =	sadd.s32 s0, s3;
	s0 =	sld [smem:$0x3FAA]  }
0x30: {  	s3 =	sld [smem:$0x3FAD]  }
0x31: {  	[smem:$0x3FB6] =	sst s10  }
0x32: {  	s10 =	sld [smem:$0x3FB4];
	_ =	sdelay $0x3  }
0x33: {  	p0 =	seq.s32 s10, $0x1;
	s10 =	sld [smem:$0x3FB6];
	_ =	sdelay $0x3  }
0x34: {  	[smem:$0x3FB6] =	sst s10  }
0x35: {  	s10 =	sld [smem:$0x3FB5];
	_ =	sdelay $0x3  }
0x36: {  	p1 =	seq.s32 s10, $0x1;
	s10 =	sld [smem:$0x3FB6];
	_ =	sdelay $0x3  }
0x37: {  	[smem:$0x3FB6] =	sst s10  }
0x38: {  	s10 =	sld [smem:$0x3FB7]  }
0x39: {  	_ = 	snop;
	(pc) =	sbr.ind lr, $3  }
0x3a: {  	_ = 	snop  }
0x3b: {  	_ = 	snop  }
0x3c: {  	p2 =	seq.s32 s10, $0x1;
	s10 =	sld [smem:$0x3FB6]  }
0x3d: {  	_ =	shalt  }
0x3e: {  	_ =	shalt  }
0x3f: {  	_ =	shalt  }
0x40: {  	_ =	shalt  }
0x41: {  	_ =	shalt  }
0x42: {  	_ =	shalt  }
0x43: {  	_ =	shalt  }
0x44: {  	_ =	shalt  }
0x45: {  	_ =	shalt  }
0x46: {  	_ =	shalt  }
0x47: {  	_ =	shalt  }
0x48: {  	_ =	shalt  }
0x49: {  	_ =	shalt  }
0x4a: {  	_ =	shalt  }
0x4b: {  	_ =	shalt  }
0x4c: {  	_ =	shalt  }
0x4d: {  	_ =	shalt  }
0x4e: {  	_ =	shalt  }
0x4f: {  	_ =	shalt  }
0x50: {  	_ =	shalt  }
0x51: {  	_ =	shalt  }
0x52: {  	_ =	shalt  }
0x53: {  	_ =	shalt  }
0x54: {  	_ =	shalt  }
0x55: {  	_ =	shalt  }
0x56: {  	_ =	shalt  }
0x57: {  	_ =	shalt  }
0x58: {  	_ =	shalt  }
0x59: {  	_ =	shalt  }
0x5a: {  	_ =	shalt  }
0x5b: {  	_ =	shalt  }
0x5c: {  	_ =	shalt  }
0x5d: {  	_ =	shalt  }
0x5e: {  	_ =	shalt  }
0x5f: {  	_ =	shalt  }
0x60: {  	_ =	shalt  }
0x61: {  	_ =	shalt  }
0x62: {  	_ =	shalt  }
0x63: {  	_ =	shalt  }
0x64: {  	_ =	shalt  }
0x65: {  	_ =	shalt  }
0x66: {  	_ =	shalt  }
0x67: {  	_ =	shalt  }
0x68: {  	_ =	shalt  }
0x69: {  	_ =	shalt  }
0x6a: {  	_ =	shalt  }
0x6b: {  	_ =	shalt  }
0x6c: {  	_ =	shalt  }
0x6d: {  	_ =	shalt  }
0x6e: {  	_ =	shalt  }
0x6f: {  	_ =	shalt  }
0x70: {  	_ =	shalt  }
0x71: {  	_ =	shalt  }
0x72: {  	_ =	shalt  }
0x73: {  	_ =	shalt  }
0x74: {  	_ =	shalt  }
0x75: {  	_ =	shalt  }
0x76: {  	_ =	shalt  }
0x77: {  	_ =	shalt  }
0x78: {  	_ =	shalt  }
0x79: {  	_ =	shalt  }
0x7a: {  	_ =	shalt  }
0x7b: {  	_ =	shalt  }
0x7c: {  	_ =	shalt  }
0x7d: {  	_ =	shalt  }
0x7e: {  	_ =	shalt  }
0x7f: {  	_ =	shalt  }
0x80: {  	_ =	shalt  }
0x81: {  	_ =	shalt  }
0x82: {  	_ =	shalt  }
0x83: {  	_ =	shalt  }
0x84: {  	_ =	shalt  }
0x85: {  	_ =	shalt  }
0x86: {  	_ =	shalt  }
0x87: {  	_ =	shalt  }
.Lfunc_end0:
.L_simem_size_0:
called_computation.2_lowered:
.L_overlay_start_0:
0x88: {  	s2 =	sld [smem:$0x3FD9]  }
0x89: {  	s3 =	sld [smem:$0x3FFE];
	_ =	sdelay $0x1  }
0x8a: {  	s1 =	srdreg.scid  }
0x8b: {  	s0 =	sand.u32 $0x1, s1  }
0x8c: {  	s15 =	sshll.u32 s0, $0xA;
	s2 =	sadd.s32 s3, s2  }
0x8d: {  	s2 =	sadd.s32 s2, s15  }
0x8e: {  	[smem:$0x3FC2] =	sst s2  }
0x8f: {  	_ = 	snop  }
0x90: {  	s2 =	sld [smem:$0x3FD0];
	_ =	sdelay $0x2  }
0x91: {  	s4 =	simm.s32 $0xB;
	s16 =	simm.s32 $0x10  }
0x92: {  	[smem:s16], [sflag:s4] =	dma.local [hbm:s2], $0x1  }
0x93: {  	_ =	swait.eq [sflag:s4], $0x1  }
0x94: {  	[sflag:s4] =	ssyncset.done $0x0  }
0x95: {  	s17 =	sld [smem:$0x11];
	[sflag:s4] =	ssyncadd.s32 $0xFFFFFFFF  }
0x96: {  	s18 =	sld [smem:$0x12];
	(tm) =	ssettm $0x1  }
0x97: {  	s19 =	sld [smem:$0x3FFB];
	_ =	sdelay $0x3  }
0x98: {  	_ =	strace s19  }
0x99: {  	s2 =	sld [smem:$0x3FFC];
	_ =	sdelay $0x3  }
0x9a: {  	_ =	strace s2  }
0x9b: {  	s2 =	sld [smem:$0x3FFD];
	_ =	sdelay $0x3  }
0x9c: {  	_ =	strace s2  }
0x9d: {  	_ =	strace $0x8FFFFFFF  }
0x9e: {  	s20 =	sld [smem:$0x3FDB];
	_ =	sdelay $0x1  }
0x9f: {  	s5 =	simm.s32 $_scs_section_size  }
0xa0: {  	s6 =	simm.s32 $_size__tile_overlayer_lowered;
	s7 =	simm.s32 $_tile_overlayer_lowered  }
0xa1: {  	s8 =	simm.s32 $0x1BFF;
	s21 =	sshll.u32 s7, $0x1;
	s5 =	sadd.s32 s5, s20  }
0xa2: {  	s22 =	simm.s32 $0x0;
	s6 =	sshll.u32 s6, $0x1;
	s7 =	sadd.s32 s21, s5  }
0xa3: {  	[timem:s22], [sflag:s8] =	dma.local [hbm:s7], s6  }
0xa4: {  	_ =	swait.ge [sflag:s8], s6  }
0xa5: {  	s6 =	ssub.s32 $0x0, s6;
	[sflag:s8] =	ssyncset.done $0x0  }
0xa6: {  	[sflag:s8] =	ssyncadd.s32 s6;
	_ =	sdelay $0x1  }
0xa7: {  	s23 =	simm.s32 $0x1B8B  }
0xa8: {  	_ =	swait.ge [sflag:s23], $0x1  }
0xa9: {  	[sflag:s23] =	ssyncset.done $0x0  }
0xaa: {  	[sflag:s23] =	ssyncadd.s32 $0xFFFFFFFF  }
0xab: {  	s6 =	sld [smem:$0x0]  }
0xac: {  	s7 =	sand.u32 $0xFFFFFFFE, s1  }
0xad: {  	p0 =	sne.s32 s1, s7  }
0xae: {  	s7 =	sshll.u32 @p0 s7, $0xE  }
0xaf: {  	s7 =	sadd.s32 @p0 $0x11B8D, s7;
	s8 =	sshll.u32 @p0 s6, $0x11  }
0xb0: {  	s7 =	sor.u32 @p0 s8, s7  }
0xb1: {  	[sflag:s7] =	ssyncadd.remote.s32 @p0 $0x1;
	_ =	sdelay $0x1  }
0xb2: {  	s7 =	simm.s32 @p0 $0x1B8D  }
0xb3: {  	_ =	swait.eq @p0 [sflag:s7], $0x1  }
0xb4: {  	[sflag:s7] =	ssyncadd.s32 @p0 $0xFFFFFFFF  }
0xb5: {  	s8 =	sshll.u32 @!p0 s1, $0xE  }
0xb6: {  	s8 =	sor.u32 @!p0 $0x4000, s8;
	s7 =	simm.s32 @!p0 $0x1B8D  }
0xb7: {  	s6 =	sshll.u32 @!p0 s6, $0x11;
	s8 =	sadd.s32 @!p0 $0x11B8D, s8;
	_ =	swait.eq @!p0 [sflag:s7], $0x1  }
0xb8: {  	s6 =	sor.u32 @!p0 s6, s8;
	[sflag:s7] =	ssyncadd.s32 @!p0 $0xFFFFFFFF  }
0xb9: {  	s25 =	simm.s32 $0x1B8E;
	s24 =	sld [smem:$0x3FFE];
	[sflag:s6] =	ssyncadd.remote.s32 @!p0 $0x1  }
0xba: {  	s26 =	simm.s32 $execute0_lowered;
	[smem:$0x3FD2] =	sst s25  }
0xbb: {  	s7 =	sshll.u32 s26, $0x1;
	_ =	strace $0x8000004F;
	[dreg:$0x1] =	wrdreg $0xFFFFFFFF  }
0xbc: {  	s28 =	simm.s32 $_size_execute0_lowered;
	s5 =	sadd.s32 s5, s7;
	[dreg:$0x0] =	wrdreg $0x0  }
0xbd: {  	s7 =	sshll.u32 s28, $0x1;
	[dreg:$0x2] =	wrdreg s5  }
0xbe: {  	[dreg:$0x3] =	wrdreg s7  }
0xbf: {  	[dreg:$0x4] =	wrdreg $0xC0  }
0xc0: {  	_ =	task [dreg:s22], $0x5FFFF  }
0xc1: {  	[dreg:$0x1] =	wrdreg $0xFFFFFFFF  }
0xc2: {  	[dreg:$0x0] =	wrdreg $0x60  }
0xc3: {  	[dreg:$0x2] =	wrdreg s18  }
0xc4: {  	[dreg:$0x3] =	wrdreg s17  }
0xc5: {  	[dreg:$0x4] =	wrdreg s24  }
0xc6: {  	[dreg:$0x5] =	wrdreg $0x98000  }
0xc7: {  	[dreg:$0x6] =	wrdreg $0x9  }
0xc8: {  	_ =	task.clear_ibuf [dreg:s22], $0x7FFFF;
	_ =	strace $0x9000004F  }
0xc9: {  	s29 =	simm.s32 $0x9;
	_ =	strace $0x80000051  }
0xca: {  	_ =	swait.ge [sflag:s29], $0x1  }
0xcb: {  	[sflag:s29] =	ssyncadd.s32 $0xFFFFFFFF  }
0xcc: {  	_ =	strace $0x90000051  }
0xcd: {  	_ =	sfence  }
0xce: {  	s30 =	sld [smem:$0x0];
	_ =	sdelay $0x2  }
0xcf: {  	s31 =	sshll.u32 s1, $0xD;
	s1 =	sshrl.u32 s1, $0x2  }
0xd0: {  	s4 =	sand.u32 $0x4000, s31;
	s1 =	sadd.s32 s1, s30  }
0xd1: {  	s0 =	sor.u32 s4, s0;
	s1 =	sshll.u32 s1, $0x11  }
0xd2: {  	s0 =	sor.u32 s1, s0  }
0xd3: {  	s0 =	sadd.s32 $0x8F2B, s0  }
0xd4: {  	[sflag:s0] =	ssyncadd.remote.s32 $0x1  }
0xd5: {  	_ =	sfence.sel $0xFFFF  }
0xd6: {  	[dreg:$0x0] =	wrdreg $0xFFFFFFFF;
	(pc) =	sbr.abs _section_cstart, $3  }
0xd7: {  	[dreg:$0x1] =	wrdreg $0xFFFFFFFF  }
0xd8: {  	_ =	task.clear_ibuf [dreg:s22], $0x2FFFF;
	_ =	strace $0x9FFFFFFF  }
0xd9: {  	(tm) =	ssettm $0x7FFFFFFF  }
tec
execute0_lowered:
.L_overlay_start_1:
0x0: {  	(tag) =	ssettag $0x1  }
0x1: {  	s5 =	rddreg [dreg:$0x0]  }
0x2: {  	s6 =	rddreg [dreg:$0x1]  }
0x3: {  	s7 =	rddreg [dreg:$0x2]  }
0x4: {  	s0 =	srdreg.scid;
	s2 =	rddreg [dreg:$0x3];
	s3 =	simm.s32 $0x0  }
0x5: {  	s28 =	simm.s32 $0x0;
	s4 =	sand.u32 $0x1, s0;
	s0 =	stileid.u32  }
0x6: {  	[smem:$0x7FF] =	sst s3;
	s18 =	sadd.s32 $0x7A000, s7;
	s9 =	smul.u32 $0x50000, s0  }
0x7: {  	s1 =	sshll.u32 s4, $0x4;
	s10 =	ssub.s32 $0x2, s4;
	s16 =	smul.u32 $0x140000, s4  }
0x8: {  	_ =	strace $0x80000050;
	s17 =	smul.u32 $0x14000, s0;
	s1 =	sor.u32 s0, s1  }
0x9: {  	s4 =	sadd.s32 $0x2000, s7;
	s11 =	sshrl.u32 s10, $0x1;
	s8 =	smul.u32 $0x580, s1  }
0xa: {  	s10 =	ssub.s32 s10, s11;
	s22 =	sshrl.u32 s9, $0x2;
	s23 =	sadd.s32 s16, s17  }
0xb: {  	s15 =	sadd.s32 $0x4000, s17;
	s19 =	sadd.s32 $0x8000, s17;
	s26 =	sadd.s32 $0xC000, s17  }
0xc: {  	s7 =	sadd.s32 s22, s2;
	s24 =	sshrl.u32 s23, $0x3;
	s9 =	smax.u32 s10, $0x1  }
0xd: {  	s13 =	sadd.s32 s16, s15;
	s20 =	sadd.s32 s16, s19;
	s22 =	sadd.s32 s15, s2  }
0xe: {  	s21 =	sadd.s32 s16, s26;
	s23 =	sadd.s32 $0x10000, s17;
	s5 =	sadd.s32 s5, s8  }
0xf: {  	s6 =	sadd.s32 s6, s8;
	s8 =	sadd.s32 s18, s24;
	s10 =	sadd.s32 $0x4000, s7  }
0x10: {  	s11 =	sadd.s32 $0x8000, s7;
	s12 =	sadd.s32 $0xC000, s7;
	s14 =	sshrl.u32 s13, $0x3  }
0x11: {  	s13 =	sadd.s32 $0x10000, s7;
	s25 =	sshrl.u32 s20, $0x3;
	s24 =	sadd.s32 s19, s2  }
0x12: {  	s29 =	sshrl.u32 s21, $0x3;
	s30 =	sadd.s32 s16, s23;
	s19 =	simm.s32 $0x2C00  }
0x13: {  	s20 =	simm.s32 $0x5800;
	s21 =	simm.s32 $0x80;
	s22 =	sshrl.u32 s22, $0x3  }
0x14: {  	s14 =	sadd.s32 s18, s14;
	s15 =	sadd.s32 s18, s25;
	s16 =	sadd.s32 s18, s29  }
0x15: {  	s25 =	sadd.s32 s26, s2;
	s31 =	sshrl.u32 s30, $0x3;
	s26 =	sadd.s32 s23, s2  }
0x16: {  	s23 =	sshrl.u32 s24, $0x3;
	s17 =	sadd.s32 s18, s31;
	s18 =	simm.s32 $0x2  }
0x17: {  	v0 =	vimm.f32 $0.0e+00;
	s24 =	sshrl.u32 s25, $0x3;
	s25 =	sshrl.u32 s26, $0x3;
	s26 =	simm.s32 $0x1  }
.LBB2_1:
0x18: {  	[tilespmem:s3], [sflag:$0x2] =	stream.linear.gather [hbm4b:s5+s3], $0x2900, $0x38;
	[tilespmem:$0x1D800] =	vst v63  }
0x19: {  	_ =	swait.ge [sflag:s18], $0x2900  }
0x1a: {  	[sflag:s18] =	ssyncset.done $0x0  }
0x1b: {  	[sflag:s18] =	ssyncadd.s32 $0xFFFFD700  }
0x1c: {  	[tilespmem:s19], [sflag:$0x2] =	stream.linear.gather [hbm4b:s6+s3], $0x2900, $0x38;
	[tilespmem:$0x1D800] =	vst v63  }
0x1d: {  	_ =	swait.ge [sflag:s18], $0x2900  }
0x1e: {  	[sflag:s18] =	ssyncset.done $0x0  }
0x1f: {  	s29 =	simm.s32 $0x0;
	s30 =	simm.s32 $0x200;
	[sflag:s18] =	ssyncadd.s32 $0xFFFFD700  }
.LBB2_2:
0x20: {  	p0 =	sne.s32 s30, $0xFE00;
	[tilespmem:s29+$0x5870] =	vst v0  }
0x21: {  	[tilespmem:s29+$0x5800] =	vst v0  }
0x22: {  	[tilespmem:s29+$0x5810] =	vst v0  }
.Ltmp0:
0x23: {  	[tilespmem:s29+$0x5820] =	vst v0;
	(pc) =	sbr.rel @p0 .LBB2_2-.Ltmp0, $4  }
0x24: {  	[tilespmem:s29+$0x5830] =	vst v0  }
0x25: {  	[tilespmem:s29+$0x5840] =	vst v0  }
0x26: {  	[tilespmem:s29+$0x5850] =	vst v0  }
0x27: {  	[tilespmem:s29+$0x5860] =	vst v0;
	s29 =	sshra.s32 s30, $0x2;
	s30 =	sadd.s32 $0x200, s30  }
0x28: {  	[tilespmem:s29+$0x5870] =	vst v0  }
0x29: {  	[tilespmem:s29+$0x5800] =	vst v0  }
0x2a: {  	[tilespmem:s29+$0x5810] =	vst v0  }
0x2b: {  	[tilespmem:s29+$0x5820] =	vst v0  }
0x2c: {  	[tilespmem:s29+$0x5830] =	vst v0  }
0x2d: {  	[tilespmem:s29+$0x5840] =	vst v0  }
0x2e: {  	[tilespmem:s29+$0x5850] =	vst v0  }
0x2f: {  	[tilespmem:s29+$0x5860] =	vst v0  }
0x30: {  	[spmem:s7] =	stream.linear.scatter [tilespmem:s20], [sflag:$0x2], $0x4000, $0x38;
	[tilespmem:$0x1D800] =	vst v63  }
0x31: {  	_ =	swait.ge [sflag:s18], $0x4000  }
0x32: {  	[sflag:s18] =	ssyncset.done $0x0  }
0x33: {  	[sflag:s18] =	ssyncadd.s32 $0xFFFFC000  }
0x34: {  	[spmem:s10] =	stream.linear.scatter [tilespmem:s20], [sflag:$0x2], $0x4000, $0x38;
	[tilespmem:$0x1D800] =	vst v63  }
0x35: {  	_ =	swait.ge [sflag:s18], $0x4000  }
0x36: {  	[sflag:s18] =	ssyncset.done $0x0  }
0x37: {  	[sflag:s18] =	ssyncadd.s32 $0xFFFFC000  }
0x38: {  	[spmem:s11] =	stream.linear.scatter [tilespmem:s20], [sflag:$0x2], $0x4000, $0x38;
	[tilespmem:$0x1D800] =	vst v63  }
0x39: {  	_ =	swait.ge [sflag:s18], $0x4000  }
0x3a: {  	[sflag:s18] =	ssyncset.done $0x0  }
0x3b: {  	[sflag:s18] =	ssyncadd.s32 $0xFFFFC000  }
0x3c: {  	[spmem:s12] =	stream.linear.scatter [tilespmem:s20], [sflag:$0x2], $0x4000, $0x38;
	[tilespmem:$0x1D800] =	vst v63  }
0x3d: {  	_ =	swait.ge [sflag:s18], $0x4000  }
0x3e: {  	[sflag:s18] =	ssyncset.done $0x0  }
0x3f: {  	[sflag:s18] =	ssyncadd.s32 $0xFFFFC000  }
0x40: {  	[spmem:s13] =	stream.linear.scatter [tilespmem:s20], [sflag:$0x2], $0x4000, $0x38;
	[tilespmem:$0x1D800] =	vst v63  }
0x41: {  	_ =	swait.ge [sflag:s18], $0x4000  }
0x42: {  	[sflag:s18] =	ssyncset.done $0x0  }
0x43: {  	[sflag:s18] =	ssyncadd.s32 $0xFFFFC000  }
0x44: {  	s29 =	simm.s32 $0x0;
	[bflag:$0x0] =	sbarrier.arrive $0xFFFF  }
0x45: {  	[tilespmem:s20], [sflag:$0x1] =	stream.indirect.gather [hbm4b:s4+s21], $0x80, s29, s21, $0xb8;
	[tilespmem:$0x1D800] =	vst v63  }
0x46: {  	_ =	swait.ge [sflag:s26], $0x4000  }
0x47: {  	[sflag:s26] =	ssyncset.done $0x0  }
0x48: {  	s29 =	simm.s32 $0x2C00;
	[sflag:s26] =	ssyncadd.s32 $0xFFFFC000  }
0x49: {  	[spmem:s2] =	stream.indirect.scatter.add.f32 [tilespmem:s20], [sflag:$0x2], $0x80, s29, s21, $0xb8;
	[tilespmem:$0x1D800] =	vst v63  }
0x4a: {  	_ =	swait.ge [sflag:s18], $0x4000  }
0x4b: {  	s30 =	simm.s32 $0x400;
	s29 =	simm.s32 $0x200;
	[sflag:s18] =	ssyncset.done $0x0  }
.LBB2_4:
0x4c: {  	s31 =	sshra.s32 s29, $0x2  }
0x4d: {  	[sflag:s18] =	ssyncadd.s32 $0xFFFFC000;
	s29 =	smov.u32 s30;
	s1 =	sadd.s32 $0x200, s30  }
0x4e: {  	[tilespmem:s20], [sflag:$0x1] =	stream.indirect.gather [hbm4b:s4+s21], $0x80, s31, s21, $0xb8;
	[tilespmem:$0x1D800] =	vst v63  }
0x4f: {  	p0 =	sne.s32 s30, $0xA200;
	_ =	swait.ge [sflag:s26], $0x4000  }
.Ltmp1:
0x50: {  	[sflag:s26] =	ssyncset.done $0x0;
	(pc) =	sbr.rel @p0 .LBB2_4-.Ltmp1, $4  }
0x51: {  	s30 =	sadd.s32 $0x2C00, s31;
	[sflag:s26] =	ssyncadd.s32 $0xFFFFC000  }
0x52: {  	[spmem:s2] =	stream.indirect.scatter.add.f32 [tilespmem:s20], [sflag:$0x2], $0x80, s30, s21, $0xb8;
	[tilespmem:$0x1D800] =	vst v63  }
0x53: {  	_ =	swait.ge [sflag:s18], $0x4000  }
0x54: {  	s30 =	smov.u32 s1;
	[sflag:s18] =	ssyncset.done $0x0  }
0x55: {  	s1 =	sshra.s32 s29, $0x2;
	[sflag:s18] =	ssyncadd.s32 $0xFFFFC000  }
0x56: {  	[tilespmem:s20], [sflag:$0x1] =	stream.indirect.gather [hbm4b:s4+s21], $0x80, s1, s21, $0xb8;
	[tilespmem:$0x1D800] =	vst v63  }
0x57: {  	_ =	swait.ge [sflag:s26], $0x4000  }
0x58: {  	[sflag:s26] =	ssyncset.done $0x0  }
0x59: {  	s1 =	sadd.s32 $0x2C00, s1;
	[sflag:s26] =	ssyncadd.s32 $0xFFFFC000  }
0x5a: {  	[spmem:s2] =	stream.indirect.scatter.add.f32 [tilespmem:s20], [sflag:$0x2], $0x80, s1, s21, $0xb8;
	[tilespmem:$0x1D800] =	vst v63  }
0x5b: {  	_ =	swait.ge [sflag:s18], $0x4000  }
0x5c: {  	[sflag:s18] =	ssyncset.done $0x0  }
0x5d: {  	s30 =	sshll.u32 s0, $0x6;
	[sflag:s18] =	ssyncadd.s32 $0xFFFFC000  }
0x5e: {  	s31 =	sshrl.u32 s7, $0x3;
	s1 =	sor.u32 $0x1C02, s30;
	[bflag:$0x0] =	sbarrier.arrive $0xFFFF  }
0x5f: {  	[hbm:s8], [sflag:s1] =	dma.local [spmem:s31], $0x800  }
0x60: {  	_ =	swait.ge [sflag:s18], $0x800  }
0x61: {  	[sflag:s18] =	ssyncset.done $0x0  }
0x62: {  	[sflag:s18] =	ssyncadd.s32 $0xFFFFF800  }
0x63: {  	[hbm:s14], [sflag:s1] =	dma.local [spmem:s22], $0x800  }
0x64: {  	_ =	swait.ge [sflag:s18], $0x800  }
0x65: {  	[sflag:s18] =	ssyncset.done $0x0  }
0x66: {  	[sflag:s18] =	ssyncadd.s32 $0xFFFFF800  }
0x67: {  	[hbm:s15], [sflag:s1] =	dma.local [spmem:s23], $0x800  }
0x68: {  	_ =	swait.ge [sflag:s18], $0x800  }
0x69: {  	[sflag:s18] =	ssyncset.done $0x0  }
0x6a: {  	[sflag:s18] =	ssyncadd.s32 $0xFFFFF800  }
0x6b: {  	[hbm:s16], [sflag:s1] =	dma.local [spmem:s24], $0x800  }
0x6c: {  	s28 =	sadd.s32 $0x1, s28;
	_ =	swait.ge [sflag:s18], $0x800  }
0x6d: {  	p0 =	sne.s32 s28, s9;
	[sflag:s18] =	ssyncset.done $0x0  }
.Ltmp2:
0x6e: {  	[sflag:s18] =	ssyncadd.s32 $0xFFFFF800;
	(pc) =	sbr.rel @p0 .LBB2_1-.Ltmp2, $4  }
0x6f: {  	[hbm:s17], [sflag:s1] =	dma.local [spmem:s25], $0x800  }
0x70: {  	_ =	swait.ge [sflag:s18], $0x800  }
0x71: {  	[sflag:s18] =	ssyncset.done $0x0  }
0x72: {  	[sflag:s18] =	ssyncadd.s32 $0xFFFFF800  }
0x73: {  	_ =	sfence.sel $0x180000  }
0x74: {  	[bflag:$0x0] =	sbarrier.arrive $0xFFFF  }
0x75: {  	_ =	strace $0x90000050  }
0x76: {  	[bflag:$0x2] =	sbarrier.arrive $0xFFFF  }
0x77: {  	p0 =	sne.s32 s0, $0x0;
	s0 =	rddreg [dreg:$0x4]  }
0x78: {  	s0 =	sadd.s32 @!p0 $0x100000, s0  }
0x79: {  	[sflag:s0] =	ssyncadd.tile.s32 @!p0 $0x1;
	_ =	shalt  }
.Lfunc_end2:
_tile_overlayer_lowered:
.L_overlay_start_2:
0x7a: {  	(tag) =	ssettag $0x2  }
0x7b: {  	s0 =	rddreg [dreg:$0x0];
	s2 =	stileid.u32  }
0x7c: {  	s1 =	rddreg [dreg:$0x1];
	p0 =	sne.s32 s2, $0x0  }
0x7d: {  	s3 =	rddreg [dreg:$0x2];
	[bflag:$0x3] =	sbarrier.arrive $0xFFFF;
	s2 =	simm.s32 @!p0 $0x1C02  }
0x7e: {  	[timem:s3], [sflag:s2] =	dma.local @!p0 [hbm:s0], s1  }
0x7f: {  	s0 =	simm.s32 @!p0 $0x2  }
0x80: {  	_ =	swait.ge @!p0 [sflag:s0], s1  }
0x81: {  	s1 =	ssub.s32 @!p0 $0x0, s1;
	[sflag:s0] =	ssyncset.done @!p0 $0x0  }
0x82: {  	[sflag:s0] =	ssyncadd.s32 @!p0 s1  }
0x83: {  	[bflag:$0x3] =	sbarrier.arrive $0xFFFF  }
0x84: {  	_ =	shalt  }

// kernel: kernel.18.cloned.1.call-start
scs
__scs_entry_jumppad:
0x0: {  	(pc) =	sbr.rel $0x88, $3  }
0x1: {  	(tag) =	ssettag $0x0;
	lr =	simm.s32 $0x1  }
0x2: {  	[smem:$0x3F9B] =	sst lr;
	_ =	strace $0xD0000000  }
0x3: {  	_ = 	snop  }
0x4: {  	_ = 	snop  }
0x5: {  	_ = 	snop  }
0x6: {  	_ = 	snop  }
0x7: {  	_ = 	snop  }
__scs_overlays_trampoline_lowered:
0x8: {  	[smem:$0x3FAA] =	sst s0  }
0x9: {  	[smem:$0x3FAB] =	sst s1  }
0xa: {  	[smem:$0x3FAC] =	sst s2  }
0xb: {  	[smem:$0x3FAD] =	sst s3  }
0xc: {  	[smem:$0x3FAE] =	sst s4  }
0xd: {  	[smem:$0x3FAF] =	sst s5  }
0xe: {  	[smem:$0x3FB0] =	sst s6  }
0xf: {  	[smem:$0x3FB1] =	sst s7  }
0x10: {  	[smem:$0x3FB2] =	sst s8  }
0x11: {  	[smem:$0x3FB3] =	sst s9;
	s0 =	simm.s32 @!p0 $0x0  }
0x12: {  	s1 =	sld [smem:$0x3F99];
	s0 =	simm.s32 @p0 $0x1  }
0x13: {  	[smem:$0x3FB4] =	sst s0;
	s0 =	simm.s32 @!p1 $0x0  }
0x14: {  	s2 =	sld [smem:$0x3F98];
	s0 =	simm.s32 @p1 $0x1  }
0x15: {  	[smem:$0x3FB5] =	sst s0;
	s0 =	simm.s32 @!p2 $0x0  }
0x16: {  	s3 =	sld [smem:$0x3FDB];
	s0 =	simm.s32 @p2 $0x1  }
0x17: {  	s4 =	simm.s32 $0x1BF5;
	[smem:$0x3FB7] =	sst s0  }
0x18: {  	s0 =	sld [smem:$0x3F9A];
	_ =	swait.ge [sflag:s4], $0x0  }
0x19: {  	s7 =	sld [smem:$0x3F9B]  }
0x1a: {  	s8 =	sadd.s32 $0xFFFFE003, lr  }
0x1b: {  	s9 =	sadd.s32 $0xFFFFFEF7, lr;
	s5 =	simm.s32 $0xFFFFFFFF;
	p2 =	slt.u32 s8, $0xFFFFF086  }
0x1c: {  	p1 =	slt.u32 s9, $0xF7A;
	s5 =	simm.s32 @!p2 $0x0  }
0x1d: {  	s5 =	simm.s32 @p1 $0x1;
	p0 =	seq.s32 s7, s2  }
0x1e: {  	s7 =	smul.u32 @!p0 $0xF7A, s2;
	p2 =	seq.s32 @!p0 s5, $0x0  }
0x1f: {  	s9 =	smul.u32 $0xF7A, s1;
	s8 =	simm.s32 @!p0 $0x1BF5;
	p2 =	por !p2, p0  }
0x20: {  	[sflag:s8] =	ssyncset.s32 @!p0 $0xFFFFF086;
	s6 =	sadd.s32 @!p0 s3, s7;
	s7 =	simm.s32 @!p0 $0x108  }
0x21: {  	s3 =	sadd.s32 s3, s9;
	s6 =	sadd.s32 @!p0 $0x88, s6;
	s7 =	simm.s32 @p2 $0x1082  }
0x22: {  	[simem:s7], [sflag:s8] =	dma.local @!p0 [hbm:s6], $0xF7A  }
0x23: {  	s9 =	sor.u32 $0xD0000000, s2;
	s6 =	simm.s32 $0x108;
	_ =	swait.ge @!p0 [sflag:s8], $0x0  }
0x24: {  	s3 =	sadd.s32 $0x88, s3;
	s6 =	simm.s32 @!p1 $0x1082;
	[sflag:s4] =	ssyncset.s32 $0xFFFFF086  }
0x25: {  	[simem:s6], [sflag:s4] =	dma.local [hbm:s3], $0xF7A  }
0x26: {  	[smem:$0x3F9B] =	sst s1;
	(tag) =	ssettag s2;
	_ =	strace s9  }
0x27: {  	s1 =	sld [smem:$0x3FAB]  }
0x28: {  	s2 =	sld [smem:$0x3FAC]  }
0x29: {  	s4 =	sld [smem:$0x3FAE]  }
0x2a: {  	p0 =	seq.s32 s5, $0x0;
	s5 =	sld [smem:$0x3FAF]  }
0x2b: {  	s6 =	sld [smem:$0x3FB0]  }
0x2c: {  	s7 =	sld [smem:$0x3FB1]  }
0x2d: {  	s3 =	simm.s32 $0x108;
	s8 =	sld [smem:$0x3FB2]  }
0x2e: {  	s3 =	simm.s32 @!p0 $0x1082;
	s9 =	sld [smem:$0x3FB3]  }
0x2f: {  	lr =	sadd.s32 s0, s3;
	s0 =	sld [smem:$0x3FAA]  }
0x30: {  	s3 =	sld [smem:$0x3FAD]  }
0x31: {  	[smem:$0x3FB6] =	sst s10  }
0x32: {  	s10 =	sld [smem:$0x3FB4];
	_ =	sdelay $0x3  }
0x33: {  	p0 =	seq.s32 s10, $0x1;
	s10 =	sld [smem:$0x3FB6];
	_ =	sdelay $0x3  }
0x34: {  	[smem:$0x3FB6] =	sst s10  }
0x35: {  	s10 =	sld [smem:$0x3FB5];
	_ =	sdelay $0x3  }
0x36: {  	p1 =	seq.s32 s10, $0x1;
	s10 =	sld [smem:$0x3FB6];
	_ =	sdelay $0x3  }
0x37: {  	[smem:$0x3FB6] =	sst s10  }
0x38: {  	s10 =	sld [smem:$0x3FB7]  }
0x39: {  	_ = 	snop;
	(pc) =	sbr.ind lr, $3  }
0x3a: {  	_ = 	snop  }
0x3b: {  	_ = 	snop  }
0x3c: {  	p2 =	seq.s32 s10, $0x1;
	s10 =	sld [smem:$0x3FB6]  }
0x3d: {  	_ =	shalt  }
0x3e: {  	_ =	shalt  }
0x3f: {  	_ =	shalt  }
0x40: {  	_ =	shalt  }
0x41: {  	_ =	shalt  }
0x42: {  	_ =	shalt  }
0x43: {  	_ =	shalt  }
0x44: {  	_ =	shalt  }
0x45: {  	_ =	shalt  }
0x46: {  	_ =	shalt  }
0x47: {  	_ =	shalt  }
0x48: {  	_ =	shalt  }
0x49: {  	_ =	shalt  }
0x4a: {  	_ =	shalt  }
0x4b: {  	_ =	shalt  }
0x4c: {  	_ =	shalt  }
0x4d: {  	_ =	shalt  }
0x4e: {  	_ =	shalt  }
0x4f: {  	_ =	shalt  }
0x50: {  	_ =	shalt  }
0x51: {  	_ =	shalt  }
0x52: {  	_ =	shalt  }
0x53: {  	_ =	shalt  }
0x54: {  	_ =	shalt  }
0x55: {  	_ =	shalt  }
0x56: {  	_ =	shalt  }
0x57: {  	_ =	shalt  }
0x58: {  	_ =	shalt  }
0x59: {  	_ =	shalt  }
0x5a: {  	_ =	shalt  }
0x5b: {  	_ =	shalt  }
0x5c: {  	_ =	shalt  }
0x5d: {  	_ =	shalt  }
0x5e: {  	_ =	shalt  }
0x5f: {  	_ =	shalt  }
0x60: {  	_ =	shalt  }
0x61: {  	_ =	shalt  }
0x62: {  	_ =	shalt  }
0x63: {  	_ =	shalt  }
0x64: {  	_ =	shalt  }
0x65: {  	_ =	shalt  }
0x66: {  	_ =	shalt  }
0x67: {  	_ =	shalt  }
0x68: {  	_ =	shalt  }
0x69: {  	_ =	shalt  }
0x6a: {  	_ =	shalt  }
0x6b: {  	_ =	shalt  }
0x6c: {  	_ =	shalt  }
0x6d: {  	_ =	shalt  }
0x6e: {  	_ =	shalt  }
0x6f: {  	_ =	shalt  }
0x70: {  	_ =	shalt  }
0x71: {  	_ =	shalt  }
0x72: {  	_ =	shalt  }
0x73: {  	_ =	shalt  }
0x74: {  	_ =	shalt  }
0x75: {  	_ =	shalt  }
0x76: {  	_ =	shalt  }
0x77: {  	_ =	shalt  }
0x78: {  	_ =	shalt  }
0x79: {  	_ =	shalt  }
0x7a: {  	_ =	shalt  }
0x7b: {  	_ =	shalt  }
0x7c: {  	_ =	shalt  }
0x7d: {  	_ =	shalt  }
0x7e: {  	_ =	shalt  }
0x7f: {  	_ =	shalt  }
0x80: {  	_ =	shalt  }
0x81: {  	_ =	shalt  }
0x82: {  	_ =	shalt  }
0x83: {  	_ =	shalt  }
0x84: {  	_ =	shalt  }
0x85: {  	_ =	shalt  }
0x86: {  	_ =	shalt  }
0x87: {  	_ =	shalt  }
.Lfunc_end0:
.L_simem_size_0:
called_computation.3_lowered:
.L_overlay_start_0:
0x88: {  	s2 =	sld [smem:$0x3FD9]  }
0x89: {  	s3 =	sld [smem:$0x3FFE];
	_ =	sdelay $0x1  }
0x8a: {  	s1 =	srdreg.scid  }
0x8b: {  	s0 =	sand.u32 $0x1, s1  }
0x8c: {  	s14 =	sshll.u32 s0, $0xA;
	s2 =	sadd.s32 s3, s2  }
0x8d: {  	s2 =	sadd.s32 s2, s14  }
0x8e: {  	[smem:$0x3FC2] =	sst s2  }
0x8f: {  	_ = 	snop  }
0x90: {  	s2 =	sld [smem:$0x3FD0];
	_ =	sdelay $0x2  }
0x91: {  	s15 =	simm.s32 $0xB;
	s4 =	simm.s32 $0x10  }
0x92: {  	[smem:s4], [sflag:s15] =	dma.local [hbm:s2], $0x1  }
0x93: {  	_ =	swait.eq [sflag:s15], $0x1  }
0x94: {  	s16 =	sld [smem:$0x10];
	[sflag:s15] =	ssyncset.done $0x0  }
0x95: {  	s17 =	sld [smem:$0x11];
	[sflag:s15] =	ssyncadd.s32 $0xFFFFFFFF  }
0x96: {  	s18 =	sld [smem:$0x12];
	(tm) =	ssettm $0x1  }
0x97: {  	s5 =	sld [smem:$0x3FFB];
	_ =	sdelay $0x3  }
0x98: {  	_ =	strace s5  }
0x99: {  	s5 =	sld [smem:$0x3FFC];
	_ =	sdelay $0x3  }
0x9a: {  	_ =	strace s5  }
0x9b: {  	s5 =	sld [smem:$0x3FFD];
	_ =	sdelay $0x3  }
0x9c: {  	_ =	strace s5  }
0x9d: {  	_ =	strace $0x8FFFFFFF  }
0x9e: {  	s19 =	sld [smem:$0x3FDB];
	_ =	sdelay $0x1  }
0x9f: {  	s6 =	simm.s32 $_scs_section_size  }
0xa0: {  	s7 =	simm.s32 $_size__tile_overlayer_lowered;
	s8 =	simm.s32 $_tile_overlayer_lowered  }
0xa1: {  	s22 =	simm.s32 $0x1BFF;
	s21 =	sshll.u32 s8, $0x1;
	s5 =	sadd.s32 s6, s19  }
0xa2: {  	s9 =	simm.s32 $0x0;
	s20 =	sshll.u32 s7, $0x1;
	s7 =	sadd.s32 s21, s5  }
0xa3: {  	[timem:s9], [sflag:s22] =	dma.local [hbm:s7], s20  }
0xa4: {  	_ =	swait.ge [sflag:s22], s20  }
0xa5: {  	s6 =	ssub.s32 $0x0, s20;
	[sflag:s22] =	ssyncset.done $0x0  }
0xa6: {  	[sflag:s22] =	ssyncadd.s32 s6;
	_ =	sdelay $0x1  }
0xa7: {  	s23 =	simm.s32 $0x1B8B  }
0xa8: {  	_ =	swait.ge [sflag:s23], $0x1  }
0xa9: {  	[sflag:s23] =	ssyncset.done $0x0  }
0xaa: {  	s25 =	simm.s32 $0x1B8E;
	s24 =	sld [smem:$0x3FFE];
	[sflag:s23] =	ssyncadd.s32 $0xFFFFFFFF  }
0xab: {  	s26 =	simm.s32 $execute0_lowered;
	[smem:$0x3FD2] =	sst s25  }
0xac: {  	s7 =	sshll.u32 s26, $0x1;
	_ =	strace $0x8000004C;
	[dreg:$0x1] =	wrdreg $0xFFFFFFFF  }
0xad: {  	s28 =	simm.s32 $_size_execute0_lowered;
	s5 =	sadd.s32 s5, s7;
	[dreg:$0x0] =	wrdreg $0x0  }
0xae: {  	s7 =	sshll.u32 s28, $0x1;
	[dreg:$0x2] =	wrdreg s5  }
0xaf: {  	[dreg:$0x3] =	wrdreg s7  }
0xb0: {  	[dreg:$0x4] =	wrdreg $0xC0  }
0xb1: {  	_ =	task [dreg:s9], $0x5FFFF  }
0xb2: {  	[dreg:$0x1] =	wrdreg $0xFFFFFFFF  }
0xb3: {  	[dreg:$0x0] =	wrdreg $0x60  }
0xb4: {  	[dreg:$0x2] =	wrdreg s18  }
0xb5: {  	[dreg:$0x3] =	wrdreg s17  }
0xb6: {  	[dreg:$0x4] =	wrdreg s16  }
0xb7: {  	[dreg:$0x5] =	wrdreg s24  }
0xb8: {  	[dreg:$0x6] =	wrdreg $0x98000  }
0xb9: {  	[dreg:$0x7] =	wrdreg $0xA  }
0xba: {  	_ =	task.clear_ibuf [dreg:s9], $0x8FFFF;
	_ =	strace $0x9000004C  }
0xbb: {  	s29 =	simm.s32 $0xA;
	_ =	strace $0x8000004E  }
0xbc: {  	_ =	swait.ge [sflag:s29], $0x1  }
0xbd: {  	[sflag:s29] =	ssyncadd.s32 $0xFFFFFFFF  }
0xbe: {  	_ =	strace $0x9000004E  }
0xbf: {  	_ =	sfence  }
0xc0: {  	s30 =	sld [smem:$0x0];
	_ =	sdelay $0x2  }
0xc1: {  	s31 =	sshll.u32 s1, $0xD;
	s1 =	sshrl.u32 s1, $0x2  }
0xc2: {  	s3 =	sand.u32 $0x4000, s31;
	s1 =	sadd.s32 s1, s30  }
0xc3: {  	s0 =	sor.u32 s3, s0;
	s1 =	sshll.u32 s1, $0x11  }
0xc4: {  	s0 =	sor.u32 s1, s0  }
0xc5: {  	s0 =	sadd.s32 $0x8F2B, s0  }
0xc6: {  	[sflag:s0] =	ssyncadd.remote.s32 $0x1  }
0xc7: {  	_ =	sfence.sel $0xFFFF  }
0xc8: {  	[dreg:$0x0] =	wrdreg $0xFFFFFFFF;
	(pc) =	sbr.abs _section_cstart, $3  }
0xc9: {  	[dreg:$0x1] =	wrdreg $0xFFFFFFFF  }
0xca: {  	_ =	task.clear_ibuf [dreg:s9], $0x2FFFF;
	_ =	strace $0x9FFFFFFF  }
0xcb: {  	(tm) =	ssettm $0x7FFFFFFF  }
tec
execute0_lowered:
.L_overlay_start_1:
0x0: {  	(tag) =	ssettag $0x1  }
0x1: {  	s5 =	rddreg [dreg:$0x0]  }
0x2: {  	s6 =	rddreg [dreg:$0x1]  }
0x3: {  	s1 =	rddreg [dreg:$0x2]  }
0x4: {  	s8 =	rddreg [dreg:$0x3]  }
0x5: {  	s0 =	srdreg.scid;
	s3 =	rddreg [dreg:$0x4]  }
0x6: {  	s4 =	simm.s32 $0x0;
	s7 =	sand.u32 $0x1, s0;
	s0 =	stileid.u32  }
0x7: {  	s28 =	simm.s32 $0x0;
	[smem:$0x7FF] =	sst s4;
	s10 =	smul.u32 $0x50000, s0  }
0x8: {  	s18 =	sadd.s32 $0x2A000, s8;
	s2 =	sshll.u32 s7, $0x4;
	s16 =	smul.u32 $0x140000, s7  }
0x9: {  	s11 =	ssub.s32 $0x2, s7;
	s17 =	smul.u32 $0x14000, s0;
	s2 =	sor.u32 s0, s2  }
0xa: {  	_ =	strace $0x8000004D;
	s22 =	sshrl.u32 s11, $0x1;
	s9 =	smul.u32 $0x580, s2  }
0xb: {  	s11 =	ssub.s32 s11, s22;
	s23 =	sshrl.u32 s10, $0x2;
	s24 =	sadd.s32 s16, s17  }
0xc: {  	s15 =	sadd.s32 $0x4000, s17;
	s19 =	sadd.s32 $0x8000, s17;
	s26 =	sadd.s32 $0xC000, s17  }
0xd: {  	s7 =	sadd.s32 s23, s3;
	s8 =	sshrl.u32 s24, $0x3;
	s13 =	sadd.s32 s16, s15  }
0xe: {  	s20 =	sadd.s32 s16, s19;
	s22 =	sadd.s32 s15, s3;
	s21 =	sadd.s32 s16, s26  }
0xf: {  	s23 =	sadd.s32 $0x10000, s17;
	s24 =	sadd.s32 s19, s3;
	s19 =	simm.s32 $0x2C00  }
0x10: {  	s5 =	sadd.s32 s5, s9;
	s6 =	sadd.s32 s6, s9;
	s8 =	sadd.s32 s18, s8  }
0x11: {  	s9 =	smax.u32 s11, $0x1;
	s10 =	sadd.s32 $0x4000, s7;
	s11 =	sadd.s32 $0x8000, s7  }
0x12: {  	s12 =	sadd.s32 $0xC000, s7;
	s14 =	sshrl.u32 s13, $0x3;
	s13 =	sadd.s32 $0x10000, s7  }
0x13: {  	s25 =	sshrl.u32 s20, $0x3;
	s29 =	sshrl.u32 s21, $0x3;
	s30 =	sadd.s32 s16, s23  }
0x14: {  	s20 =	simm.s32 $0x5800;
	s21 =	simm.s32 $0x80;
	s22 =	sshrl.u32 s22, $0x3  }
0x15: {  	s14 =	sadd.s32 s18, s14;
	s15 =	sadd.s32 s18, s25;
	s16 =	sadd.s32 s18, s29  }
0x16: {  	s25 =	sadd.s32 s26, s3;
	s31 =	sshrl.u32 s30, $0x3;
	s26 =	sadd.s32 s23, s3  }
0x17: {  	s23 =	sshrl.u32 s24, $0x3;
	s17 =	sadd.s32 s18, s31;
	s18 =	simm.s32 $0x2  }
0x18: {  	v0 =	vimm.f32 $0.0e+00;
	s24 =	sshrl.u32 s25, $0x3;
	s25 =	sshrl.u32 s26, $0x3;
	s26 =	simm.s32 $0x1  }
.LBB2_1:
0x19: {  	[tilespmem:s4], [sflag:$0x2] =	stream.linear.gather [hbm4b:s5+s4], $0x2900, $0x38;
	[tilespmem:$0x1D800] =	vst v63  }
0x1a: {  	_ =	swait.ge [sflag:s18], $0x2900  }
0x1b: {  	[sflag:s18] =	ssyncset.done $0x0  }
0x1c: {  	[sflag:s18] =	ssyncadd.s32 $0xFFFFD700  }
0x1d: {  	[tilespmem:s19], [sflag:$0x2] =	stream.linear.gather [hbm4b:s6+s4], $0x2900, $0x38;
	[tilespmem:$0x1D800] =	vst v63  }
0x1e: {  	_ =	swait.ge [sflag:s18], $0x2900  }
0x1f: {  	[sflag:s18] =	ssyncset.done $0x0  }
0x20: {  	s29 =	simm.s32 $0x0;
	s30 =	simm.s32 $0x200;
	[sflag:s18] =	ssyncadd.s32 $0xFFFFD700  }
.LBB2_2:
0x21: {  	p0 =	sne.s32 s30, $0xFE00;
	[tilespmem:s29+$0x5870] =	vst v0  }
0x22: {  	[tilespmem:s29+$0x5800] =	vst v0  }
0x23: {  	[tilespmem:s29+$0x5810] =	vst v0  }
.Ltmp0:
0x24: {  	[tilespmem:s29+$0x5820] =	vst v0;
	(pc) =	sbr.rel @p0 .LBB2_2-.Ltmp0, $4  }
0x25: {  	[tilespmem:s29+$0x5830] =	vst v0  }
0x26: {  	[tilespmem:s29+$0x5840] =	vst v0  }
0x27: {  	[tilespmem:s29+$0x5850] =	vst v0  }
0x28: {  	[tilespmem:s29+$0x5860] =	vst v0;
	s29 =	sshra.s32 s30, $0x2;
	s30 =	sadd.s32 $0x200, s30  }
0x29: {  	[tilespmem:s29+$0x5870] =	vst v0  }
0x2a: {  	[tilespmem:s29+$0x5800] =	vst v0  }
0x2b: {  	[tilespmem:s29+$0x5810] =	vst v0  }
0x2c: {  	[tilespmem:s29+$0x5820] =	vst v0  }
0x2d: {  	[tilespmem:s29+$0x5830] =	vst v0  }
0x2e: {  	[tilespmem:s29+$0x5840] =	vst v0  }
0x2f: {  	[tilespmem:s29+$0x5850] =	vst v0  }
0x30: {  	[tilespmem:s29+$0x5860] =	vst v0  }
0x31: {  	[spmem:s7] =	stream.linear.scatter [tilespmem:s20], [sflag:$0x2], $0x4000, $0x38;
	[tilespmem:$0x1D800] =	vst v63  }
0x32: {  	_ =	swait.ge [sflag:s18], $0x4000  }
0x33: {  	[sflag:s18] =	ssyncset.done $0x0  }
0x34: {  	[sflag:s18] =	ssyncadd.s32 $0xFFFFC000  }
0x35: {  	[spmem:s10] =	stream.linear.scatter [tilespmem:s20], [sflag:$0x2], $0x4000, $0x38;
	[tilespmem:$0x1D800] =	vst v63  }
0x36: {  	_ =	swait.ge [sflag:s18], $0x4000  }
0x37: {  	[sflag:s18] =	ssyncset.done $0x0  }
0x38: {  	[sflag:s18] =	ssyncadd.s32 $0xFFFFC000  }
0x39: {  	[spmem:s11] =	stream.linear.scatter [tilespmem:s20], [sflag:$0x2], $0x4000, $0x38;
	[tilespmem:$0x1D800] =	vst v63  }
0x3a: {  	_ =	swait.ge [sflag:s18], $0x4000  }
0x3b: {  	[sflag:s18] =	ssyncset.done $0x0  }
0x3c: {  	[sflag:s18] =	ssyncadd.s32 $0xFFFFC000  }
0x3d: {  	[spmem:s12] =	stream.linear.scatter [tilespmem:s20], [sflag:$0x2], $0x4000, $0x38;
	[tilespmem:$0x1D800] =	vst v63  }
0x3e: {  	_ =	swait.ge [sflag:s18], $0x4000  }
0x3f: {  	[sflag:s18] =	ssyncset.done $0x0  }
0x40: {  	[sflag:s18] =	ssyncadd.s32 $0xFFFFC000  }
0x41: {  	[spmem:s13] =	stream.linear.scatter [tilespmem:s20], [sflag:$0x2], $0x4000, $0x38;
	[tilespmem:$0x1D800] =	vst v63  }
0x42: {  	_ =	swait.ge [sflag:s18], $0x4000  }
0x43: {  	[sflag:s18] =	ssyncset.done $0x0  }
0x44: {  	[sflag:s18] =	ssyncadd.s32 $0xFFFFC000  }
0x45: {  	s29 =	simm.s32 $0x0;
	[bflag:$0x0] =	sbarrier.arrive $0xFFFF  }
0x46: {  	[tilespmem:s20], [sflag:$0x1] =	stream.indirect.gather [hbm4b:s1+s21], $0x80, s29, s21, $0xb8;
	[tilespmem:$0x1D800] =	vst v63  }
0x47: {  	_ =	swait.ge [sflag:s26], $0x4000  }
0x48: {  	[sflag:s26] =	ssyncset.done $0x0  }
0x49: {  	s29 =	simm.s32 $0x2C00;
	[sflag:s26] =	ssyncadd.s32 $0xFFFFC000  }
0x4a: {  	[spmem:s3] =	stream.indirect.scatter.add.f32 [tilespmem:s20], [sflag:$0x2], $0x80, s29, s21, $0xb8;
	[tilespmem:$0x1D800] =	vst v63  }
0x4b: {  	_ =	swait.ge [sflag:s18], $0x4000  }
0x4c: {  	s30 =	simm.s32 $0x400;
	s29 =	simm.s32 $0x200;
	[sflag:s18] =	ssyncset.done $0x0  }
.LBB2_4:
0x4d: {  	s31 =	sshra.s32 s29, $0x2  }
0x4e: {  	[sflag:s18] =	ssyncadd.s32 $0xFFFFC000;
	s29 =	smov.u32 s30;
	s2 =	sadd.s32 $0x200, s30  }
0x4f: {  	[tilespmem:s20], [sflag:$0x1] =	stream.indirect.gather [hbm4b:s1+s21], $0x80, s31, s21, $0xb8;
	[tilespmem:$0x1D800] =	vst v63  }
0x50: {  	p0 =	sne.s32 s30, $0xA200;
	_ =	swait.ge [sflag:s26], $0x4000  }
.Ltmp1:
0x51: {  	[sflag:s26] =	ssyncset.done $0x0;
	(pc) =	sbr.rel @p0 .LBB2_4-.Ltmp1, $4  }
0x52: {  	s30 =	sadd.s32 $0x2C00, s31;
	[sflag:s26] =	ssyncadd.s32 $0xFFFFC000  }
0x53: {  	[spmem:s3] =	stream.indirect.scatter.add.f32 [tilespmem:s20], [sflag:$0x2], $0x80, s30, s21, $0xb8;
	[tilespmem:$0x1D800] =	vst v63  }
0x54: {  	_ =	swait.ge [sflag:s18], $0x4000  }
0x55: {  	s30 =	smov.u32 s2;
	[sflag:s18] =	ssyncset.done $0x0  }
0x56: {  	s2 =	sshra.s32 s29, $0x2;
	[sflag:s18] =	ssyncadd.s32 $0xFFFFC000  }
0x57: {  	[tilespmem:s20], [sflag:$0x1] =	stream.indirect.gather [hbm4b:s1+s21], $0x80, s2, s21, $0xb8;
	[tilespmem:$0x1D800] =	vst v63  }
0x58: {  	_ =	swait.ge [sflag:s26], $0x4000  }
0x59: {  	[sflag:s26] =	ssyncset.done $0x0  }
0x5a: {  	s2 =	sadd.s32 $0x2C00, s2;
	[sflag:s26] =	ssyncadd.s32 $0xFFFFC000  }
0x5b: {  	[spmem:s3] =	stream.indirect.scatter.add.f32 [tilespmem:s20], [sflag:$0x2], $0x80, s2, s21, $0xb8;
	[tilespmem:$0x1D800] =	vst v63  }
0x5c: {  	_ =	swait.ge [sflag:s18], $0x4000  }
0x5d: {  	[sflag:s18] =	ssyncset.done $0x0  }
0x5e: {  	s30 =	sshll.u32 s0, $0x6;
	[sflag:s18] =	ssyncadd.s32 $0xFFFFC000  }
0x5f: {  	s31 =	sshrl.u32 s7, $0x3;
	s2 =	sor.u32 $0x1C02, s30;
	[bflag:$0x0] =	sbarrier.arrive $0xFFFF  }
0x60: {  	[hbm:s8], [sflag:s2] =	dma.local [spmem:s31], $0x800  }
0x61: {  	_ =	swait.ge [sflag:s18], $0x800  }
0x62: {  	[sflag:s18] =	ssyncset.done $0x0  }
0x63: {  	[sflag:s18] =	ssyncadd.s32 $0xFFFFF800  }
0x64: {  	[hbm:s14], [sflag:s2] =	dma.local [spmem:s22], $0x800  }
0x65: {  	_ =	swait.ge [sflag:s18], $0x800  }
0x66: {  	[sflag:s18] =	ssyncset.done $0x0  }
0x67: {  	[sflag:s18] =	ssyncadd.s32 $0xFFFFF800  }
0x68: {  	[hbm:s15], [sflag:s2] =	dma.local [spmem:s23], $0x800  }
0x69: {  	_ =	swait.ge [sflag:s18], $0x800  }
0x6a: {  	[sflag:s18] =	ssyncset.done $0x0  }
0x6b: {  	[sflag:s18] =	ssyncadd.s32 $0xFFFFF800  }
0x6c: {  	[hbm:s16], [sflag:s2] =	dma.local [spmem:s24], $0x800  }
0x6d: {  	s28 =	sadd.s32 $0x1, s28;
	_ =	swait.ge [sflag:s18], $0x800  }
0x6e: {  	p0 =	sne.s32 s28, s9;
	[sflag:s18] =	ssyncset.done $0x0  }
.Ltmp2:
0x6f: {  	[sflag:s18] =	ssyncadd.s32 $0xFFFFF800;
	(pc) =	sbr.rel @p0 .LBB2_1-.Ltmp2, $4  }
0x70: {  	[hbm:s17], [sflag:s2] =	dma.local [spmem:s25], $0x800  }
0x71: {  	_ =	swait.ge [sflag:s18], $0x800  }
0x72: {  	[sflag:s18] =	ssyncset.done $0x0  }
0x73: {  	[sflag:s18] =	ssyncadd.s32 $0xFFFFF800  }
0x74: {  	_ =	sfence.sel $0x180000  }
0x75: {  	[bflag:$0x0] =	sbarrier.arrive $0xFFFF  }
0x76: {  	_ =	strace $0x9000004D  }
0x77: {  	[bflag:$0x2] =	sbarrier.arrive $0xFFFF  }
0x78: {  	p0 =	sne.s32 s0, $0x0;
	s0 =	rddreg [dreg:$0x5]  }
0x79: {  	s0 =	sadd.s32 @!p0 $0x100000, s0  }
0x7a: {  	[sflag:s0] =	ssyncadd.tile.s32 @!p0 $0x1;
	_ =	shalt  }
.Lfunc_end2:
_tile_overlayer_lowered:
.L_overlay_start_2:
0x7b: {  	(tag) =	ssettag $0x2  }
0x7c: {  	s0 =	rddreg [dreg:$0x0];
	s2 =	stileid.u32  }
0x7d: {  	s1 =	rddreg [dreg:$0x1];
	p0 =	sne.s32 s2, $0x0  }
0x7e: {  	s3 =	rddreg [dreg:$0x2];
	[bflag:$0x3] =	sbarrier.arrive $0xFFFF;
	s2 =	simm.s32 @!p0 $0x1C02  }
0x7f: {  	[timem:s3], [sflag:s2] =	dma.local @!p0 [hbm:s0], s1  }
0x80: {  	s0 =	simm.s32 @!p0 $0x2  }
0x81: {  	_ =	swait.ge @!p0 [sflag:s0], s1  }
0x82: {  	s1 =	ssub.s32 @!p0 $0x0, s1;
	[sflag:s0] =	ssyncset.done @!p0 $0x0  }
0x83: {  	[sflag:s0] =	ssyncadd.s32 @!p0 s1  }
0x84: {  	[bflag:$0x3] =	sbarrier.arrive $0xFFFF  }
0x85: {  	_ =	shalt  }

// kernel: kernel.9.cloned.1.call-start
scs
__scs_entry_jumppad:
0x0: {  	(pc) =	sbr.rel $0x88, $3  }
0x1: {  	(tag) =	ssettag $0x0;
	lr =	simm.s32 $0x1  }
0x2: {  	[smem:$0x3F9B] =	sst lr;
	_ =	strace $0xD0000000  }
0x3: {  	_ = 	snop  }
0x4: {  	_ = 	snop  }
0x5: {  	_ = 	snop  }
0x6: {  	_ = 	snop  }
0x7: {  	_ = 	snop  }
__scs_overlays_trampoline_lowered:
0x8: {  	[smem:$0x3FAA] =	sst s0  }
0x9: {  	[smem:$0x3FAB] =	sst s1  }
0xa: {  	[smem:$0x3FAC] =	sst s2  }
0xb: {  	[smem:$0x3FAD] =	sst s3  }
0xc: {  	[smem:$0x3FAE] =	sst s4  }
0xd: {  	[smem:$0x3FAF] =	sst s5  }
0xe: {  	[smem:$0x3FB0] =	sst s6  }
0xf: {  	[smem:$0x3FB1] =	sst s7  }
0x10: {  	[smem:$0x3FB2] =	sst s8  }
0x11: {  	[smem:$0x3FB3] =	sst s9;
	s0 =	simm.s32 @!p0 $0x0  }
0x12: {  	s1 =	sld [smem:$0x3F99];
	s0 =	simm.s32 @p0 $0x1  }
0x13: {  	[smem:$0x3FB4] =	sst s0;
	s0 =	simm.s32 @!p1 $0x0  }
0x14: {  	s2 =	sld [smem:$0x3F98];
	s0 =	simm.s32 @p1 $0x1  }
0x15: {  	[smem:$0x3FB5] =	sst s0;
	s0 =	simm.s32 @!p2 $0x0  }
0x16: {  	s3 =	sld [smem:$0x3FDB];
	s0 =	simm.s32 @p2 $0x1  }
0x17: {  	s4 =	simm.s32 $0x1BF5;
	[smem:$0x3FB7] =	sst s0  }
0x18: {  	s0 =	sld [smem:$0x3F9A];
	_ =	swait.ge [sflag:s4], $0x0  }
0x19: {  	s7 =	sld [smem:$0x3F9B]  }
0x1a: {  	s8 =	sadd.s32 $0xFFFFE003, lr  }
0x1b: {  	s9 =	sadd.s32 $0xFFFFFEF7, lr;
	s5 =	simm.s32 $0xFFFFFFFF;
	p2 =	slt.u32 s8, $0xFFFFF086  }
0x1c: {  	p1 =	slt.u32 s9, $0xF7A;
	s5 =	simm.s32 @!p2 $0x0  }
0x1d: {  	s5 =	simm.s32 @p1 $0x1;
	p0 =	seq.s32 s7, s2  }
0x1e: {  	s7 =	smul.u32 @!p0 $0xF7A, s2;
	p2 =	seq.s32 @!p0 s5, $0x0  }
0x1f: {  	s9 =	smul.u32 $0xF7A, s1;
	s8 =	simm.s32 @!p0 $0x1BF5;
	p2 =	por !p2, p0  }
0x20: {  	[sflag:s8] =	ssyncset.s32 @!p0 $0xFFFFF086;
	s6 =	sadd.s32 @!p0 s3, s7;
	s7 =	simm.s32 @!p0 $0x108  }
0x21: {  	s3 =	sadd.s32 s3, s9;
	s6 =	sadd.s32 @!p0 $0x88, s6;
	s7 =	simm.s32 @p2 $0x1082  }
0x22: {  	[simem:s7], [sflag:s8] =	dma.local @!p0 [hbm:s6], $0xF7A  }
0x23: {  	s9 =	sor.u32 $0xD0000000, s2;
	s6 =	simm.s32 $0x108;
	_ =	swait.ge @!p0 [sflag:s8], $0x0  }
0x24: {  	s3 =	sadd.s32 $0x88, s3;
	s6 =	simm.s32 @!p1 $0x1082;
	[sflag:s4] =	ssyncset.s32 $0xFFFFF086  }
0x25: {  	[simem:s6], [sflag:s4] =	dma.local [hbm:s3], $0xF7A  }
0x26: {  	[smem:$0x3F9B] =	sst s1;
	(tag) =	ssettag s2;
	_ =	strace s9  }
0x27: {  	s1 =	sld [smem:$0x3FAB]  }
0x28: {  	s2 =	sld [smem:$0x3FAC]  }
0x29: {  	s4 =	sld [smem:$0x3FAE]  }
0x2a: {  	p0 =	seq.s32 s5, $0x0;
	s5 =	sld [smem:$0x3FAF]  }
0x2b: {  	s6 =	sld [smem:$0x3FB0]  }
0x2c: {  	s7 =	sld [smem:$0x3FB1]  }
0x2d: {  	s3 =	simm.s32 $0x108;
	s8 =	sld [smem:$0x3FB2]  }
0x2e: {  	s3 =	simm.s32 @!p0 $0x1082;
	s9 =	sld [smem:$0x3FB3]  }
0x2f: {  	lr =	sadd.s32 s0, s3;
	s0 =	sld [smem:$0x3FAA]  }
0x30: {  	s3 =	sld [smem:$0x3FAD]  }
0x31: {  	[smem:$0x3FB6] =	sst s10  }
0x32: {  	s10 =	sld [smem:$0x3FB4];
	_ =	sdelay $0x3  }
0x33: {  	p0 =	seq.s32 s10, $0x1;
	s10 =	sld [smem:$0x3FB6];
	_ =	sdelay $0x3  }
0x34: {  	[smem:$0x3FB6] =	sst s10  }
0x35: {  	s10 =	sld [smem:$0x3FB5];
	_ =	sdelay $0x3  }
0x36: {  	p1 =	seq.s32 s10, $0x1;
	s10 =	sld [smem:$0x3FB6];
	_ =	sdelay $0x3  }
0x37: {  	[smem:$0x3FB6] =	sst s10  }
0x38: {  	s10 =	sld [smem:$0x3FB7]  }
0x39: {  	_ = 	snop;
	(pc) =	sbr.ind lr, $3  }
0x3a: {  	_ = 	snop  }
0x3b: {  	_ = 	snop  }
0x3c: {  	p2 =	seq.s32 s10, $0x1;
	s10 =	sld [smem:$0x3FB6]  }
0x3d: {  	_ =	shalt  }
0x3e: {  	_ =	shalt  }
0x3f: {  	_ =	shalt  }
0x40: {  	_ =	shalt  }
0x41: {  	_ =	shalt  }
0x42: {  	_ =	shalt  }
0x43: {  	_ =	shalt  }
0x44: {  	_ =	shalt  }
0x45: {  	_ =	shalt  }
0x46: {  	_ =	shalt  }
0x47: {  	_ =	shalt  }
0x48: {  	_ =	shalt  }
0x49: {  	_ =	shalt  }
0x4a: {  	_ =	shalt  }
0x4b: {  	_ =	shalt  }
0x4c: {  	_ =	shalt  }
0x4d: {  	_ =	shalt  }
0x4e: {  	_ =	shalt  }
0x4f: {  	_ =	shalt  }
0x50: {  	_ =	shalt  }
0x51: {  	_ =	shalt  }
0x52: {  	_ =	shalt  }
0x53: {  	_ =	shalt  }
0x54: {  	_ =	shalt  }
0x55: {  	_ =	shalt  }
0x56: {  	_ =	shalt  }
0x57: {  	_ =	shalt  }
0x58: {  	_ =	shalt  }
0x59: {  	_ =	shalt  }
0x5a: {  	_ =	shalt  }
0x5b: {  	_ =	shalt  }
0x5c: {  	_ =	shalt  }
0x5d: {  	_ =	shalt  }
0x5e: {  	_ =	shalt  }
0x5f: {  	_ =	shalt  }
0x60: {  	_ =	shalt  }
0x61: {  	_ =	shalt  }
0x62: {  	_ =	shalt  }
0x63: {  	_ =	shalt  }
0x64: {  	_ =	shalt  }
0x65: {  	_ =	shalt  }
0x66: {  	_ =	shalt  }
0x67: {  	_ =	shalt  }
0x68: {  	_ =	shalt  }
0x69: {  	_ =	shalt  }
0x6a: {  	_ =	shalt  }
0x6b: {  	_ =	shalt  }
0x6c: {  	_ =	shalt  }
0x6d: {  	_ =	shalt  }
0x6e: {  	_ =	shalt  }
0x6f: {  	_ =	shalt  }
0x70: {  	_ =	shalt  }
0x71: {  	_ =	shalt  }
0x72: {  	_ =	shalt  }
0x73: {  	_ =	shalt  }
0x74: {  	_ =	shalt  }
0x75: {  	_ =	shalt  }
0x76: {  	_ =	shalt  }
0x77: {  	_ =	shalt  }
0x78: {  	_ =	shalt  }
0x79: {  	_ =	shalt  }
0x7a: {  	_ =	shalt  }
0x7b: {  	_ =	shalt  }
0x7c: {  	_ =	shalt  }
0x7d: {  	_ =	shalt  }
0x7e: {  	_ =	shalt  }
0x7f: {  	_ =	shalt  }
0x80: {  	_ =	shalt  }
0x81: {  	_ =	shalt  }
0x82: {  	_ =	shalt  }
0x83: {  	_ =	shalt  }
0x84: {  	_ =	shalt  }
0x85: {  	_ =	shalt  }
0x86: {  	_ =	shalt  }
0x87: {  	_ =	shalt  }
.Lfunc_end0:
.L_simem_size_0:
called_computation_lowered:
.L_overlay_start_0:
0x88: {  	s2 =	sld [smem:$0x3FD9]  }
0x89: {  	s3 =	sld [smem:$0x3FFE];
	_ =	sdelay $0x1  }
0x8a: {  	s1 =	srdreg.scid  }
0x8b: {  	s0 =	sand.u32 $0x1, s1  }
0x8c: {  	s15 =	sshll.u32 s0, $0xA;
	s2 =	sadd.s32 s3, s2  }
0x8d: {  	s2 =	sadd.s32 s2, s15  }
0x8e: {  	[smem:$0x3FC2] =	sst s2  }
0x8f: {  	_ = 	snop  }
0x90: {  	s2 =	sld [smem:$0x3FD0];
	_ =	sdelay $0x2  }
0x91: {  	s16 =	simm.s32 $0xB;
	s4 =	simm.s32 $0x10  }
0x92: {  	[smem:s4], [sflag:s16] =	dma.local [hbm:s2], $0x1  }
0x93: {  	_ =	swait.eq [sflag:s16], $0x1  }
0x94: {  	[sflag:s16] =	ssyncset.done $0x0  }
0x95: {  	s17 =	sld [smem:$0x10];
	[sflag:s16] =	ssyncadd.s32 $0xFFFFFFFF  }
0x96: {  	s18 =	sld [smem:$0x11];
	(tm) =	ssettm $0x1  }
0x97: {  	s19 =	sld [smem:$0x3FFB];
	_ =	sdelay $0x3  }
0x98: {  	_ =	strace s19  }
0x99: {  	s4 =	sld [smem:$0x3FFC];
	_ =	sdelay $0x3  }
0x9a: {  	_ =	strace s4  }
0x9b: {  	s4 =	sld [smem:$0x3FFD];
	_ =	sdelay $0x3  }
0x9c: {  	_ =	strace s4  }
0x9d: {  	_ =	strace $0x8FFFFFFF  }
0x9e: {  	s20 =	sld [smem:$0x3FDB];
	_ =	sdelay $0x1  }
0x9f: {  	s5 =	simm.s32 $_scs_section_size  }
0xa0: {  	s6 =	simm.s32 $_size__tile_overlayer_lowered;
	s7 =	simm.s32 $_tile_overlayer_lowered  }
0xa1: {  	s23 =	simm.s32 $0x1BFF;
	s22 =	sshll.u32 s7, $0x1;
	s4 =	sadd.s32 s5, s20  }
0xa2: {  	s8 =	simm.s32 $0x0;
	s21 =	sshll.u32 s6, $0x1;
	s6 =	sadd.s32 s22, s4  }
0xa3: {  	[timem:s8], [sflag:s23] =	dma.local [hbm:s6], s21  }
0xa4: {  	_ =	swait.ge [sflag:s23], s21  }
0xa5: {  	s5 =	ssub.s32 $0x0, s21;
	[sflag:s23] =	ssyncset.done $0x0  }
0xa6: {  	[sflag:s23] =	ssyncadd.s32 s5;
	_ =	sdelay $0x1  }
0xa7: {  	s24 =	simm.s32 $0x1B8B  }
0xa8: {  	_ =	swait.ge [sflag:s24], $0x1  }
0xa9: {  	[sflag:s24] =	ssyncset.done $0x0  }
0xaa: {  	s25 =	simm.s32 $0x1B8E;
	[sflag:s24] =	ssyncadd.s32 $0xFFFFFFFF  }
0xab: {  	s26 =	simm.s32 $execute0_lowered;
	[smem:$0x3FD2] =	sst s25  }
0xac: {  	s5 =	sshll.u32 s26, $0x1;
	_ =	strace $0x80000046;
	[dreg:$0x1] =	wrdreg $0xFFFFFFFF  }
0xad: {  	s28 =	simm.s32 $_size_execute0_lowered;
	s4 =	sadd.s32 s4, s5;
	[dreg:$0x0] =	wrdreg $0x0  }
0xae: {  	s5 =	sshll.u32 s28, $0x1;
	[dreg:$0x2] =	wrdreg s4  }
0xaf: {  	[dreg:$0x3] =	wrdreg s5  }
0xb0: {  	[dreg:$0x4] =	wrdreg $0xC0  }
0xb1: {  	_ =	task [dreg:s8], $0x5FFFF  }
0xb2: {  	[dreg:$0x1] =	wrdreg $0xFFFFFFFF  }
0xb3: {  	[dreg:$0x0] =	wrdreg $0x60  }
0xb4: {  	[dreg:$0x2] =	wrdreg s18  }
0xb5: {  	[dreg:$0x3] =	wrdreg s17  }
0xb6: {  	[dreg:$0x4] =	wrdreg $0x2F000  }
0xb7: {  	[dreg:$0x5] =	wrdreg $0x9  }
0xb8: {  	_ =	task.clear_ibuf [dreg:s8], $0x6FFFF;
	_ =	strace $0x90000046  }
0xb9: {  	s29 =	simm.s32 $0x9;
	_ =	strace $0x80000048  }
0xba: {  	_ =	swait.ge [sflag:s29], $0x1  }
0xbb: {  	[sflag:s29] =	ssyncadd.s32 $0xFFFFFFFF  }
0xbc: {  	_ =	strace $0x90000048  }
0xbd: {  	_ =	sfence  }
0xbe: {  	s30 =	sld [smem:$0x0];
	_ =	sdelay $0x2  }
0xbf: {  	s31 =	sshll.u32 s1, $0xD;
	s1 =	sshrl.u32 s1, $0x2  }
0xc0: {  	s3 =	sand.u32 $0x4000, s31;
	s1 =	sadd.s32 s1, s30  }
0xc1: {  	s0 =	sor.u32 s3, s0;
	s1 =	sshll.u32 s1, $0x11  }
0xc2: {  	s0 =	sor.u32 s1, s0  }
0xc3: {  	s0 =	sadd.s32 $0x8F2B, s0  }
0xc4: {  	[sflag:s0] =	ssyncadd.remote.s32 $0x1  }
0xc5: {  	_ =	sfence.sel $0xFFFF  }
0xc6: {  	[dreg:$0x0] =	wrdreg $0xFFFFFFFF;
	(pc) =	sbr.abs _section_cstart, $3  }
0xc7: {  	[dreg:$0x1] =	wrdreg $0xFFFFFFFF  }
0xc8: {  	_ =	task.clear_ibuf [dreg:s8], $0x2FFFF;
	_ =	strace $0x9FFFFFFF  }
0xc9: {  	(tm) =	ssettm $0x7FFFFFFF  }
tec
execute0_lowered:
.L_overlay_start_1:
0x0: {  	(tag) =	ssettag $0x1  }
0x1: {  	s4 =	rddreg [dreg:$0x0]  }
0x2: {  	s6 =	rddreg [dreg:$0x1]  }
0x3: {  	s1 =	rddreg [dreg:$0x2]  }
0x4: {  	s0 =	rddreg [dreg:$0x3];
	s3 =	simm.s32 $0x0;
	s5 =	srdreg.scid  }
0x5: {  	s2 =	stileid.u32;
	s14 =	simm.s32 $0x20;
	s15 =	simm.s32 $0x10  }
0x6: {  	s16 =	simm.s32 $0x0;
	[smem:$0x7FF] =	sst s3;
	s8 =	smul.u32 $0xA00, s2  }
0x7: {  	s5 =	sand.u32 $0x1, s5;
	s10 =	smul.u32 $0x500, s2;
	s12 =	sshll.u32 s2, $0x6  }
0x8: {  	_ =	strace $0x80000047;
	s7 =	sshll.u32 s5, $0x4;
	s9 =	ssub.s32 $0x2, s5  }
0x9: {  	s5 =	sshll.u32 s5, $0x7;
	s12 =	sor.u32 $0x1C01, s12;
	s7 =	sor.u32 s2, s7  }
0xa: {  	s11 =	sshrl.u32 s9, $0x1;
	s8 =	sshrl.u32 s8, $0x2;
	s10 =	sor.u32 s5, s10  }
0xb: {  	s7 =	smul.u32 $0x580, s7;
	s9 =	ssub.s32 s9, s11;
	s5 =	sadd.s32 s8, s1  }
0xc: {  	s31 =	sshrl.u32 s10, $0x3;
	s8 =	simm.s32 $0x1;
	s10 =	simm.s32 $0x80  }
0xd: {  	s11 =	simm.s32 $0x2C00;
	s6 =	sadd.s32 s6, s31;
	s13 =	sshrl.u32 s5, $0x3  }
0xe: {  	v0 =	vimm.f32 $0.0e+00;
	v1 =	vimm.f32 $1.000000000e+00;
	s4 =	sadd.s32 s4, s7;
	s7 =	smax.u32 s9, $0x1;
	s9 =	simm.s32 $0x2C80  }
.LBB2_1:
0xf: {  	[tilespmem:s3], [sflag:$0x1] =	stream.linear.gather [hbm4b:s4+s3], $0x2900, $0x38;
	[tilespmem:$0x3180] =	vst v63  }
0x10: {  	_ =	swait.ge [sflag:s8], $0x2900  }
0x11: {  	[sflag:s8] =	ssyncset.done $0x0  }
0x12: {  	[sflag:s8] =	ssyncadd.s32 $0xFFFFD700  }
0x13: {  	[tilespmem:$0x2C80] =	vst v0  }
0x14: {  	[tilespmem:$0x2C90] =	vst v0  }
0x15: {  	[tilespmem:$0x2CA0] =	vst v0  }
0x16: {  	[tilespmem:$0x2CB0] =	vst v0  }
0x17: {  	[tilespmem:$0x2CC0] =	vst v0  }
0x18: {  	[tilespmem:$0x2CD0] =	vst v0  }
0x19: {  	[tilespmem:$0x2CE0] =	vst v0  }
0x1a: {  	[tilespmem:$0x2CF0] =	vst v0  }
0x1b: {  	[tilespmem:$0x2D00] =	vst v0  }
0x1c: {  	[tilespmem:$0x2D10] =	vst v0  }
0x1d: {  	[tilespmem:$0x2D20] =	vst v0  }
0x1e: {  	[tilespmem:$0x2D30] =	vst v0  }
0x1f: {  	[tilespmem:$0x2D40] =	vst v0  }
0x20: {  	[tilespmem:$0x2D50] =	vst v0  }
0x21: {  	[tilespmem:$0x2D60] =	vst v0  }
0x22: {  	[tilespmem:$0x2D70] =	vst v0  }
0x23: {  	[tilespmem:$0x2D80] =	vst v0  }
0x24: {  	[tilespmem:$0x2D90] =	vst v0  }
0x25: {  	[tilespmem:$0x2DA0] =	vst v0  }
0x26: {  	[tilespmem:$0x2DB0] =	vst v0  }
0x27: {  	[tilespmem:$0x2DC0] =	vst v0  }
0x28: {  	[tilespmem:$0x2DD0] =	vst v0  }
0x29: {  	[tilespmem:$0x2DE0] =	vst v0  }
0x2a: {  	[tilespmem:$0x2DF0] =	vst v0  }
0x2b: {  	[tilespmem:$0x2E00] =	vst v0  }
0x2c: {  	[tilespmem:$0x2E10] =	vst v0  }
0x2d: {  	[tilespmem:$0x2E20] =	vst v0  }
0x2e: {  	[tilespmem:$0x2E30] =	vst v0  }
0x2f: {  	[tilespmem:$0x2E40] =	vst v0  }
0x30: {  	[tilespmem:$0x2E50] =	vst v0  }
0x31: {  	[tilespmem:$0x2E60] =	vst v0  }
0x32: {  	[tilespmem:$0x2E70] =	vst v0  }
0x33: {  	[tilespmem:$0x2E80] =	vst v0  }
0x34: {  	[tilespmem:$0x2E90] =	vst v0  }
0x35: {  	[tilespmem:$0x2EA0] =	vst v0  }
0x36: {  	[tilespmem:$0x2EB0] =	vst v0  }
0x37: {  	[tilespmem:$0x2EC0] =	vst v0  }
0x38: {  	[tilespmem:$0x2ED0] =	vst v0  }
0x39: {  	[tilespmem:$0x2EE0] =	vst v0  }
0x3a: {  	[tilespmem:$0x2EF0] =	vst v0  }
0x3b: {  	[tilespmem:$0x2C00] =	vst v1  }
0x3c: {  	[tilespmem:$0x2C10] =	vst v1  }
0x3d: {  	[tilespmem:$0x2C20] =	vst v1  }
0x3e: {  	[tilespmem:$0x2C30] =	vst v1  }
0x3f: {  	[tilespmem:$0x2C40] =	vst v1  }
0x40: {  	[tilespmem:$0x2C50] =	vst v1  }
0x41: {  	[tilespmem:$0x2C60] =	vst v1  }
0x42: {  	[tilespmem:$0x2C70] =	vst v1  }
0x43: {  	[spmem:s5] =	stream.linear.scatter [tilespmem:s9], [sflag:$0x1], $0x280, $0x38;
	[tilespmem:$0x3180] =	vst v63  }
0x44: {  	_ =	swait.ge [sflag:s8], $0x280  }
0x45: {  	[sflag:s8] =	ssyncset.done $0x0  }
0x46: {  	[sflag:s8] =	ssyncadd.s32 $0xFFFFFD80  }
0x47: {  	s17 =	simm.s32 $0x0;
	[bflag:$0x0] =	sbarrier.arrive $0xFFFF  }
0x48: {  	[spmem:s1] =	stream.indirect.scatter.add.f32 [tilespmem:s11], [sflag:$0x1], $0x1, s17, s10, $0xb8;
	[tilespmem:$0x3180] =	vst v63  }
0x49: {  	_ =	swait.ge [sflag:s8], $0x80  }
0x4a: {  	s17 =	simm.s32 $0x200;
	[sflag:s8] =	ssyncset.done $0x0  }
.LBB2_2:
0x4b: {  	s18 =	sshra.s32 s17, $0x2;
	[sflag:s8] =	ssyncadd.s32 $0xFFFFFF80;
	p0 =	sne.s32 s17, $0xA200  }
0x4c: {  	[spmem:s1] =	stream.indirect.scatter.add.f32 [tilespmem:s11], [sflag:$0x1], $0x1, s18, s10, $0xb8;
	[tilespmem:$0x3180] =	vst v63  }
.Ltmp0:
0x4d: {  	_ = 	snop;
	(pc) =	sbr.rel @p0 .LBB2_2-.Ltmp0, $4  }
0x4e: {  	_ = 	snop  }
0x4f: {  	s17 =	sadd.s32 $0x200, s17  }
0x50: {  	_ =	swait.ge [sflag:s8], $0x80  }
0x51: {  	[sflag:s8] =	ssyncset.done $0x0  }
0x52: {  	s16 =	sadd.s32 $0x1, s16  }
0x53: {  	[sflag:s8] =	ssyncadd.s32 $0xFFFFFF80;
	p0 =	sne.s32 s16, s7  }
.Ltmp1:
0x54: {  	[bflag:$0x0] =	sbarrier.arrive $0xFFFF;
	(pc) =	sbr.rel @p0 .LBB2_1-.Ltmp1, $4  }
0x55: {  	[hbm:s6@s14], [sflag:s12] =	dma.strided [spmem:s13@s15], $0x50, s8, $0x10   }
0x56: {  	_ =	swait.ge [sflag:s8], $0x50  }
0x57: {  	[sflag:s8] =	ssyncset.done $0x0  }
0x58: {  	[sflag:s8] =	ssyncadd.s32 $0xFFFFFFB0  }
0x59: {  	_ =	sfence.sel $0x180000  }
0x5a: {  	[bflag:$0x0] =	sbarrier.arrive $0xFFFF  }
0x5b: {  	p0 =	sne.s32 s2, $0x0;
	_ =	strace $0x90000047  }
0x5c: {  	s0 =	sadd.s32 @!p0 $0x100000, s0;
	[bflag:$0x2] =	sbarrier.arrive $0xFFFF  }
0x5d: {  	[sflag:s0] =	ssyncadd.tile.s32 @!p0 $0x1;
	_ =	shalt  }
.Lfunc_end2:
_tile_overlayer_lowered:
.L_overlay_start_2:
0x5e: {  	(tag) =	ssettag $0x2  }
0x5f: {  	s0 =	rddreg [dreg:$0x0];
	s2 =	stileid.u32  }
0x60: {  	s1 =	rddreg [dreg:$0x1];
	p0 =	sne.s32 s2, $0x0  }
0x61: {  	s3 =	rddreg [dreg:$0x2];
	[bflag:$0x3] =	sbarrier.arrive $0xFFFF;
	s2 =	simm.s32 @!p0 $0x1C01  }
0x62: {  	[timem:s3], [sflag:s2] =	dma.local @!p0 [hbm:s0], s1  }
0x63: {  	s0 =	simm.s32 @!p0 $0x1  }
0x64: {  	_ =	swait.ge @!p0 [sflag:s0], s1  }
0x65: {  	s1 =	ssub.s32 @!p0 $0x0, s1;
	[sflag:s0] =	ssyncset.done @!p0 $0x0  }
0x66: {  	[sflag:s0] =	ssyncadd.s32 @!p0 s1  }
0x67: {  	[bflag:$0x3] =	sbarrier.arrive $0xFFFF  }
0x68: {  	_ =	shalt  }

</sc_bundles>
